<compile_context>
chip_gen: v7x
topology: tpu7x:2x2x1
jax: 0.10.2.dev20260603
libtpu: 0.0.44.dev20260713+nightly
codegen_flags: <defaults>
</compile_context>

<pallas_src>
import jax
import jax.numpy as jnp
from jax import lax
from jax.experimental import pallas as pl
from jax.experimental.pallas import tpu as pltpu

E = 8
TOP_K = 2
D = 1024
F = 2048
N = 2048

BLK = 256
NBMAX = 24
SLOT = NBMAX * BLK
FH = 1024
NH = F // FH

_BF = jnp.bfloat16


def _router_body(lg_ref, i0_ref, i1_ref, w0_ref, w1_ref):
    logits = lg_ref[...]
    iota = lax.broadcasted_iota(jnp.int32, (N, E), 1)
    m0 = jnp.max(logits, axis=1)
    i0 = jnp.min(jnp.where(logits == m0[:, None], iota, E), axis=1)
    neg = jnp.float32(-3.0e38)
    masked = jnp.where(iota == i0[:, None], neg, logits)
    m1 = jnp.max(masked, axis=1)
    i1 = jnp.min(jnp.where(masked == m1[:, None], iota, E), axis=1)
    w1 = jax.nn.sigmoid(m1 - m0)
    w0 = 1.0 - w1
    i0_ref[...] = i0
    i1_ref[...] = i1
    w0_ref[...] = w0
    w1_ref[...] = w1


def _run_router(logits):
    return pl.pallas_call(
        _router_body,
        out_shape=(
            jax.ShapeDtypeStruct((N,), jnp.int32),
            jax.ShapeDtypeStruct((N,), jnp.int32),
            jax.ShapeDtypeStruct((N,), jnp.float32),
            jax.ShapeDtypeStruct((N,), jnp.float32),
        ),
    )(logits)


def _dispatch_metadata(i0, i1, w0, w1):
    e_flat = jnp.concatenate([i0, i1])
    tok = jnp.concatenate([jnp.arange(N, dtype=jnp.int32)] * 2)
    w_flat = jnp.concatenate([w0, w1])
    counts = jnp.sum(e_flat[:, None] == jnp.arange(E, dtype=jnp.int32)[None, :],
                     axis=0, dtype=jnp.int32)
    pcounts = ((counts + BLK - 1) // BLK) * BLK
    start = jnp.cumsum(counts) - counts
    pstart = jnp.cumsum(pcounts) - pcounts
    order = jnp.argsort(e_flat, stable=True)
    e_s = e_flat[order]
    tok_s = tok[order]
    w_s = w_flat[order]
    rank = jnp.arange(2 * N, dtype=jnp.int32) - start[e_s]
    pos = pstart[e_s] + rank
    sidx = jnp.zeros((SLOT,), jnp.int32).at[pos].set(tok_s)
    sw = jnp.zeros((SLOT,), jnp.float32).at[pos].set(w_s)
    total_padded = jnp.sum(pcounts)
    nb_used = total_padded // BLK
    block_ids = jnp.arange(NBMAX, dtype=jnp.int32)
    block_start = block_ids * BLK
    bvalid = (block_start < total_padded).astype(jnp.int32)
    bexp_raw = jnp.clip(
        jnp.searchsorted(pstart, block_start, side="right").astype(jnp.int32) - 1,
        0, E - 1)
    last_e = bexp_raw[nb_used - 1]
    bexp = jnp.where(bvalid == 1, bexp_raw, last_e)
    bsel = jnp.where(bvalid == 1, block_ids, nb_used - 1)
    return sidx.reshape(NBMAX, 1, BLK), sw.reshape(NBMAX, 1, BLK), bexp, bsel, bvalid


def _ffn_body(bexp_ref, bsel_ref, bvalid_ref,
              x_r_ref, x_i_ref, sidx_ref, sw_ref,
              wgr_ref, wgi_ref, wvr_ref, wvi_ref, wdr_ref, wdi_ref,
              bgr_ref, bgi_ref, bvr_ref, bvi_ref, bdr_ref, bdi_ref,
              out_r_ref, out_i_ref,
              oh_s, xsr_s, xsi_s, accr_s, acci_s):
    b = pl.program_id(0)
    h = pl.program_id(1)

    @pl.when((b == 0) & (h == 0))
    def _init():
        out_r_ref[...] = jnp.zeros_like(out_r_ref)
        out_i_ref[...] = jnp.zeros_like(out_i_ref)

    @pl.when(bvalid_ref[b] == 1)
    def _compute():
        @pl.when(h == 0)
        def _gather():
            idx = sidx_ref[0, 0, :]
            iota = lax.broadcasted_iota(jnp.int32, (BLK, N), 1)
            oh = (idx[:, None] == iota).astype(jnp.float32).astype(_BF)
            oh_s[...] = oh
            xsr_s[...] = jnp.dot(oh, x_r_ref[...],
                                 preferred_element_type=jnp.float32).astype(_BF)
            xsi_s[...] = jnp.dot(oh, x_i_ref[...],
                                 preferred_element_type=jnp.float32).astype(_BF)

        xr = xsr_s[...]
        xi = xsi_s[...]
        dn_nt = (((1,), (1,)), ((), ()))

        wgr = wgr_ref[0]
        wgi = wgi_ref[0]
        gr = (lax.dot_general(xr, wgr, dn_nt, preferred_element_type=jnp.float32)
              - lax.dot_general(xi, wgi, dn_nt, preferred_element_type=jnp.float32)
              + bgr_ref[0])
        gi = (lax.dot_general(xi, wgr, dn_nt, preferred_element_type=jnp.float32)
              + lax.dot_general(xr, wgi, dn_nt, preferred_element_type=jnp.float32)
              + bgi_ref[0])
        mag = jnp.sqrt(gr * gr + gi * gi + 1e-8)
        act = mag * jax.nn.sigmoid(mag)

        wvr = wvr_ref[0]
        wvi = wvi_ref[0]
        vr = (lax.dot_general(xr, wvr, dn_nt, preferred_element_type=jnp.float32)
              - lax.dot_general(xi, wvi, dn_nt, preferred_element_type=jnp.float32)
              + bvr_ref[0])
        vi = (lax.dot_general(xi, wvr, dn_nt, preferred_element_type=jnp.float32)
              + lax.dot_general(xr, wvi, dn_nt, preferred_element_type=jnp.float32)
              + bvi_ref[0])
        hr = (act * vr).astype(_BF)
        hi = (act * vi).astype(_BF)

        wdr = wdr_ref[0]
        wdi = wdi_ref[0]
        pyr = (lax.dot_general(hr, wdr, dn_nt, preferred_element_type=jnp.float32)
               - lax.dot_general(hi, wdi, dn_nt, preferred_element_type=jnp.float32))
        pyi = (lax.dot_general(hi, wdr, dn_nt, preferred_element_type=jnp.float32)
               + lax.dot_general(hr, wdi, dn_nt, preferred_element_type=jnp.float32))

        @pl.when(h == 0)
        def _acc0():
            accr_s[...] = pyr
            acci_s[...] = pyi

        @pl.when(h > 0)
        def _acc():
            accr_s[...] += pyr
            acci_s[...] += pyi

        @pl.when(h == NH - 1)
        def _scatter():
            w = sw_ref[0, 0, :]
            yr = accr_s[...] + bdr_ref[0]
            yi = acci_s[...] + bdi_ref[0]
            wyr = (w[:, None] * yr).astype(_BF)
            wyi = (w[:, None] * yi).astype(_BF)
            oh = oh_s[...]
            dn_tn = (((0,), (0,)), ((), ()))
            out_r_ref[...] += lax.dot_general(
                oh, wyr, dn_tn, preferred_element_type=jnp.float32)
            out_i_ref[...] += lax.dot_general(
                oh, wyi, dn_tn, preferred_element_type=jnp.float32)


def _run_ffn(x_r, x_i, sidx3, sw3, bexp, bsel, bvalid,
             Wg_r, Wg_i, bg_r, bg_i, Wv_r, Wv_i, bv_r, bv_i,
             Wd_r, Wd_i, bd_r, bd_i):
    def h_eff(b, h, bv):
        return jnp.where(bv[b] == 1, h, NH - 1)

    full = lambda b, h, *_: (0, 0)
    blk_map = lambda b, h, be, bs, bv: (bs[b], 0, 0)
    up_w = lambda b, h, be, bs, bv: (be[b], h_eff(b, h, bv), 0)
    dn_w = lambda b, h, be, bs, bv: (be[b], 0, h_eff(b, h, bv))
    up_b = lambda b, h, be, bs, bv: (be[b], 0, h_eff(b, h, bv))
    dn_b = lambda b, h, be, bs, bv: (be[b], 0, 0)

    grid_spec = pltpu.PrefetchScalarGridSpec(
        num_scalar_prefetch=3,
        grid=(NBMAX, NH),
        in_specs=[
            pl.BlockSpec((N, D), full),
            pl.BlockSpec((N, D), full),
            pl.BlockSpec((1, 1, BLK), blk_map),
            pl.BlockSpec((1, 1, BLK), blk_map),
            pl.BlockSpec((1, FH, D), up_w),
            pl.BlockSpec((1, FH, D), up_w),
            pl.BlockSpec((1, FH, D), up_w),
            pl.BlockSpec((1, FH, D), up_w),
            pl.BlockSpec((1, D, FH), dn_w),
            pl.BlockSpec((1, D, FH), dn_w),
            pl.BlockSpec((1, 1, FH), up_b),
            pl.BlockSpec((1, 1, FH), up_b),
            pl.BlockSpec((1, 1, FH), up_b),
            pl.BlockSpec((1, 1, FH), up_b),
            pl.BlockSpec((1, 1, D), dn_b),
            pl.BlockSpec((1, 1, D), dn_b),
        ],
        out_specs=[
            pl.BlockSpec((N, D), full),
            pl.BlockSpec((N, D), full),
        ],
        scratch_shapes=[
            pltpu.VMEM((BLK, N), _BF),
            pltpu.VMEM((BLK, D), _BF),
            pltpu.VMEM((BLK, D), _BF),
            pltpu.VMEM((BLK, D), jnp.float32),
            pltpu.VMEM((BLK, D), jnp.float32),
        ],
    )
    out_r, out_i = pl.pallas_call(
        _ffn_body,
        grid_spec=grid_spec,
        out_shape=(
            jax.ShapeDtypeStruct((N, D), jnp.float32),
            jax.ShapeDtypeStruct((N, D), jnp.float32),
        ),
        compiler_params=pltpu.CompilerParams(
            dimension_semantics=("arbitrary", "arbitrary"),
            vmem_limit_bytes=66048 * 1024,
        ),
    )(bexp, bsel, bvalid, x_r, x_i, sidx3, sw3,
      Wg_r, Wg_i, Wv_r, Wv_i, Wd_r, Wd_i,
      bg_r.reshape(E, 1, F), bg_i.reshape(E, 1, F),
      bv_r.reshape(E, 1, F), bv_i.reshape(E, 1, F),
      bd_r.reshape(E, 1, D), bd_i.reshape(E, 1, D))
    return out_r, out_i


def kernel(x_r, x_i, router_W, router_b, Wg_r, Wg_i, bg_r, bg_i,
           Wv_r, Wv_i, bv_r, bv_i, Wd_r, Wd_i, bd_r, bd_i):
    Bs, Hs, Ts, Ds = x_r.shape
    xr = x_r.reshape(N, D)
    xi = x_i.reshape(N, D)
    logits = jnp.concatenate([xr, xi], axis=-1) @ router_W.T + router_b
    i0, i1, w0, w1 = _run_router(logits)
    sidx3, sw3, bexp, bsel, bvalid = _dispatch_metadata(i0, i1, w0, w1)
    out_r, out_i = _run_ffn(xr.astype(_BF), xi.astype(_BF),
                            sidx3, sw3, bexp, bsel, bvalid,
                            Wg_r.astype(_BF), Wg_i.astype(_BF), bg_r, bg_i,
                            Wv_r.astype(_BF), Wv_i.astype(_BF), bv_r, bv_i,
                            Wd_r.astype(_BF), Wd_i.astype(_BF), bd_r, bd_i)
    return (out_r.reshape(Bs, Hs, Ts, Ds), out_i.reshape(Bs, Hs, Ts, Ds))

# --- scband reference (transcript-rebuilt; emitter-appended) ---
"""Pipeline reference for scband-complex-mo-e-39513699123240 (READ-ONLY COPY).

The authoritative reference and input builder live on the scoring server;
editing this copy changes nothing except your own understanding.
"""

import jax, jax.numpy as jnp
import numpy as np

E = 8
TOP_K = 2
D_MODEL = 1024
D_HIDDEN = 2048
B, H, T = 1, 1, 2048


def setup_inputs(seed: int = 0) -> dict:
    key = jax.random.key(seed)
    ks = jax.random.split(key, 12)
    std = (2.0 / (D_MODEL + D_HIDDEN)) ** 0.5 * (1.0 / 2.0 ** 0.5)
    inp = {}
    inp["x_r"] = jax.random.normal(ks[0], (B, H, T, D_MODEL), dtype=jnp.float32)
    inp["x_i"] = jax.random.normal(ks[1], (B, H, T, D_MODEL), dtype=jnp.float32)
    inp["router_W"] = jax.random.normal(ks[2], (E, 2 * D_MODEL), dtype=jnp.float32) * 0.02
    inp["router_b"] = jnp.zeros((E,), dtype=jnp.float32)
    inp["Wg_r"] = jax.random.normal(ks[3], (E, D_HIDDEN, D_MODEL), dtype=jnp.float32) * std
    inp["Wg_i"] = jax.random.normal(ks[4], (E, D_HIDDEN, D_MODEL), dtype=jnp.float32) * std
    inp["bg_r"] = jnp.zeros((E, D_HIDDEN), dtype=jnp.float32)
    inp["bg_i"] = jnp.zeros((E, D_HIDDEN), dtype=jnp.float32)
    inp["Wv_r"] = jax.random.normal(ks[5], (E, D_HIDDEN, D_MODEL), dtype=jnp.float32) * std
    inp["Wv_i"] = jax.random.normal(ks[6], (E, D_HIDDEN, D_MODEL), dtype=jnp.float32) * std
    inp["bv_r"] = jnp.zeros((E, D_HIDDEN), dtype=jnp.float32)
    inp["bv_i"] = jnp.zeros((E, D_HIDDEN), dtype=jnp.float32)
    inp["Wd_r"] = jax.random.normal(ks[7], (E, D_MODEL, D_HIDDEN), dtype=jnp.float32) * std
    inp["Wd_i"] = jax.random.normal(ks[8], (E, D_MODEL, D_HIDDEN), dtype=jnp.float32) * std
    inp["bd_r"] = jnp.zeros((E, D_MODEL), dtype=jnp.float32)
    inp["bd_i"] = jnp.zeros((E, D_MODEL), dtype=jnp.float32)
    return inp


def _moe_forward(x_r, x_i, router_W, router_b, Wg_r, Wg_i, bg_r, bg_i, Wv_r, Wv_i, bv_r, bv_i, Wd_r, Wd_i, bd_r, bd_i):
    Bs, Hs, Ts, Ds = x_r.shape
    N = Bs * Hs * Ts
    xr = x_r.reshape(N, Ds)
    xi = x_i.reshape(N, Ds)
    logits = jnp.concatenate([xr, xi], axis=-1) @ router_W.T + router_b
    top_vals, top_idx = jax.lax.top_k(logits, TOP_K)
    top_w = jax.nn.softmax(top_vals, axis=-1)
    onehot = jax.nn.one_hot(top_idx, E, dtype=xr.dtype)
    combine = jnp.einsum('nk,nke->ne', top_w, onehot)
    out_r = jnp.zeros_like(xr)
    out_i = jnp.zeros_like(xi)
    for e in range(E):
        gr = xr @ Wg_r[e].T - xi @ Wg_i[e].T + bg_r[e]
        gi = xi @ Wg_r[e].T + xr @ Wg_i[e].T + bg_i[e]
        mag = jnp.sqrt(gr * gr + gi * gi + 1e-8)
        act = mag * jax.nn.sigmoid(mag)
        vr = xr @ Wv_r[e].T - xi @ Wv_i[e].T + bv_r[e]
        vi = xi @ Wv_r[e].T + xr @ Wv_i[e].T + bv_i[e]
        hr = act * vr
        hi = act * vi
        yr = hr @ Wd_r[e].T - hi @ Wd_i[e].T + bd_r[e]
        yi = hi @ Wd_r[e].T + hr @ Wd_i[e].T + bd_i[e]
        we = combine[:, e:e + 1]
        out_r = out_r + we * yr
        out_i = out_i + we * yi
    return out_r.reshape(Bs, Hs, Ts, Ds), out_i.reshape(Bs, Hs, Ts, Ds)


def reference(x_r, x_i, router_W, router_b, Wg_r, Wg_i, bg_r, bg_i, Wv_r, Wv_i, bv_r, bv_i, Wd_r, Wd_i, bd_r, bd_i):
    out_r, out_i = _moe_forward(x_r, x_i, router_W, router_b, Wg_r, Wg_i, bg_r, bg_i, Wv_r, Wv_i, bv_r, bv_i, Wd_r, Wd_i, bd_r, bd_i)
    return (out_r, out_i)

if __name__ == "__main__":
    import jax
    _d = setup_inputs()
    print(jax.jit(kernel)(*tuple(_d.values())))

</pallas_src>

<mosaic_0001>
module attributes {stable_mosaic.version = 14 : i64} {
  func.func @_router_body(%arg0: memref<2048x8xf32, #tpu.memory_space<vmem>>, %arg1: memref<2048xi32, #tpu.memory_space<vmem>>, %arg2: memref<2048xi32, #tpu.memory_space<vmem>>, %arg3: memref<2048xf32, #tpu.memory_space<vmem>>, %arg4: memref<2048xf32, #tpu.memory_space<vmem>>) attributes {dimension_semantics = [], scalar_prefetch = 0 : i64, scratch_operands = 0 : i64, tpu.core_type = #tpu.core_type<tc>} {
    %get3A = arith.constant 0 : index
    %get3A_0 = arith.constant 0 : index
    %get3A_1 = vector.load %arg0[%get3A, %get3A_0] : memref<2048x8xf32, #tpu.memory_space<vmem>>, vector<2048x8xf32>
    %iota3A = tpu.iota {dimensions = array<i32: 1>} : vector<2048x8xi32>
    %reduce_max3A = arith.constant dense<0xFF800000> : vector<2048xf32>
    %reduce_max3A_2 = vector.multi_reduction <maximumf>, %get3A_1, %reduce_max3A [1] : vector<2048x8xf32> to vector<2048xf32>
    %broadcast_in_dim3A = vector.shape_cast %reduce_max3A_2 : vector<2048xf32> to vector<2048x1xf32>
    %eq3A = vector.broadcast %broadcast_in_dim3A : vector<2048x1xf32> to vector<2048x8xf32>
    %eq3A_3 = arith.cmpf oeq, %get3A_1, %eq3A : vector<2048x8xf32>
    %jit3A = arith.constant 8 : i32
    %broadcast_in_dim3A_4 = vector.broadcast %jit3A : i32 to vector<2048x8xi32>
    %select_n3A = arith.select %eq3A_3, %iota3A, %broadcast_in_dim3A_4 : vector<2048x8xi1>, vector<2048x8xi32>
    %reduce_min3A = arith.constant dense<2147483647> : vector<2048xi32>
    %reduce_min3A_5 = vector.multi_reduction <minsi>, %select_n3A, %reduce_min3A [1] : vector<2048x8xi32> to vector<2048xi32>
    %broadcast_in_dim3A_6 = vector.shape_cast %reduce_min3A_5 : vector<2048xi32> to vector<2048x1xi32>
    %eq3A_7 = vector.broadcast %broadcast_in_dim3A_6 : vector<2048x1xi32> to vector<2048x8xi32>
    %eq3A_8 = arith.cmpi eq, %iota3A, %eq3A_7 : vector<2048x8xi32>
    %jit3A_9 = arith.constant -3.000000e+38 : f32
    %broadcast_in_dim3A_10 = vector.broadcast %jit3A_9 : f32 to vector<2048x8xf32>
    %select_n3A_11 = arith.select %eq3A_8, %broadcast_in_dim3A_10, %get3A_1 : vector<2048x8xi1>, vector<2048x8xf32>
    %reduce_max3A_12 = arith.constant dense<0xFF800000> : vector<2048xf32>
    %reduce_max3A_13 = vector.multi_reduction <maximumf>, %select_n3A_11, %reduce_max3A_12 [1] : vector<2048x8xf32> to vector<2048xf32>
    %broadcast_in_dim3A_14 = vector.shape_cast %reduce_max3A_13 : vector<2048xf32> to vector<2048x1xf32>
    %eq3A_15 = vector.broadcast %broadcast_in_dim3A_14 : vector<2048x1xf32> to vector<2048x8xf32>
    %eq3A_16 = arith.cmpf oeq, %select_n3A_11, %eq3A_15 : vector<2048x8xf32>
    %jit3A_17 = arith.constant 8 : i32
    %broadcast_in_dim3A_18 = vector.broadcast %jit3A_17 : i32 to vector<2048x8xi32>
    %select_n3A_19 = arith.select %eq3A_16, %iota3A, %broadcast_in_dim3A_18 : vector<2048x8xi1>, vector<2048x8xi32>
    %reduce_min3A_20 = arith.constant dense<2147483647> : vector<2048xi32>
    %reduce_min3A_21 = vector.multi_reduction <minsi>, %select_n3A_19, %reduce_min3A_20 [1] : vector<2048x8xi32> to vector<2048xi32>
    %sub3A = arith.subf %reduce_max3A_13, %reduce_max3A_2 : vector<2048xf32>
    %logistic3A = arith.negf %sub3A : vector<2048xf32>
    %logistic3A_22 = math.exp %logistic3A : vector<2048xf32>
    %logistic3A_23 = arith.constant 1.000000e+00 : f32
    %logistic3A_24 = vector.broadcast %logistic3A_23 : f32 to vector<2048xf32>
    %logistic3A_25 = arith.addf %logistic3A_24, %logistic3A_22 : vector<2048xf32>
    %logistic3A_26 = arith.divf %logistic3A_24, %logistic3A_25 : vector<2048xf32>
    %sub3A_27 = arith.constant 1.000000e+00 : f32
    %sub3A_28 = vector.broadcast %sub3A_27 : f32 to vector<2048xf32>
    %sub3A_29 = arith.subf %sub3A_28, %logistic3A_26 : vector<2048xf32>
    %swap3A = arith.constant 0 : index
    %swap3A_30 = vector.load %arg1[%swap3A] : memref<2048xi32, #tpu.memory_space<vmem>>, vector<2048xi32>
    tpu.vector_store %arg1[%swap3A], %reduce_min3A_5 {strides = array<i32>} : memref<2048xi32, #tpu.memory_space<vmem>>, vector<2048xi32>,
    %swap3A_31 = arith.constant 0 : index
    %swap3A_32 = vector.load %arg2[%swap3A_31] : memref<2048xi32, #tpu.memory_space<vmem>>, vector<2048xi32>
    tpu.vector_store %arg2[%swap3A_31], %reduce_min3A_21 {strides = array<i32>} : memref<2048xi32, #tpu.memory_space<vmem>>, vector<2048xi32>,
    %swap3A_33 = arith.constant 0 : index
    %swap3A_34 = vector.load %arg3[%swap3A_33] : memref<2048xf32, #tpu.memory_space<vmem>>, vector<2048xf32>
    tpu.vector_store %arg3[%swap3A_33], %sub3A_29 {strides = array<i32>} : memref<2048xf32, #tpu.memory_space<vmem>>, vector<2048xf32>,
    %swap3A_35 = arith.constant 0 : index
    %swap3A_36 = vector.load %arg4[%swap3A_35] : memref<2048xf32, #tpu.memory_space<vmem>>, vector<2048xf32>
    tpu.vector_store %arg4[%swap3A_35], %logistic3A_26 {strides = array<i32>} : memref<2048xf32, #tpu.memory_space<vmem>>, vector<2048xf32>,
    return
  }
}

module attributes {stable_mosaic.version = 14 : i64} {
  func.func @_ffn_body(%arg0: i32, %arg1: i32, %arg2: memref<24xi32, #tpu.memory_space<smem>>, %arg3: memref<24xi32, #tpu.memory_space<smem>>, %arg4: memref<24xi32, #tpu.memory_space<smem>>, %arg5: memref<2048x1024xbf16, #tpu.memory_space<vmem>>, %arg6: memref<2048x1024xbf16, #tpu.memory_space<vmem>>, %arg7: memref<1x1x256xi32, #tpu.memory_space<vmem>>, %arg8: memref<1x1x256xf32, #tpu.memory_space<vmem>>, %arg9: memref<1x1024x1024xbf16, #tpu.memory_space<vmem>>, %arg10: memref<1x1024x1024xbf16, #tpu.memory_space<vmem>>, %arg11: memref<1x1024x1024xbf16, #tpu.memory_space<vmem>>, %arg12: memref<1x1024x1024xbf16, #tpu.memory_space<vmem>>, %arg13: memref<1x1024x1024xbf16, #tpu.memory_space<vmem>>, %arg14: memref<1x1024x1024xbf16, #tpu.memory_space<vmem>>, %arg15: memref<1x1x1024xf32, #tpu.memory_space<vmem>>, %arg16: memref<1x1x1024xf32, #tpu.memory_space<vmem>>, %arg17: memref<1x1x1024xf32, #tpu.memory_space<vmem>>, %arg18: memref<1x1x1024xf32, #tpu.memory_space<vmem>>, %arg19: memref<1x1x1024xf32, #tpu.memory_space<vmem>>, %arg20: memref<1x1x1024xf32, #tpu.memory_space<vmem>>, %arg21: memref<2048x1024xf32, #tpu.memory_space<vmem>>, %arg22: memref<2048x1024xf32, #tpu.memory_space<vmem>>, %arg23: memref<256x2048xbf16, #tpu.memory_space<vmem>>, %arg24: memref<256x1024xbf16, #tpu.memory_space<vmem>>, %arg25: memref<256x1024xbf16, #tpu.memory_space<vmem>>, %arg26: memref<256x1024xf32, #tpu.memory_space<vmem>>, %arg27: memref<256x1024xf32, #tpu.memory_space<vmem>>) attributes {dimension_semantics = [#tpu.dimension_semantics<arbitrary>, #tpu.dimension_semantics<arbitrary>], iteration_bounds = array<i64: 24, 2>, scalar_prefetch = 3 : i64, scratch_operands = 5 : i64, tpu.core_type = #tpu.core_type<tc>, window_params = [{pipeline_mode = #tpu.pipeline_mode<synchronous>, transform_indices = @transform_0, window_bounds = array<i64: 2048, 1024>}, {pipeline_mode = #tpu.pipeline_mode<synchronous>, transform_indices = @transform_1, window_bounds = array<i64: 2048, 1024>}, {transform_indices = @transform_2, window_bounds = array<i64: 1, 1, 256>}, {transform_indices = @transform_3, window_bounds = array<i64: 1, 1, 256>}, {transform_indices = @transform_4, window_bounds = array<i64: 1, 1024, 1024>}, {transform_indices = @transform_5, window_bounds = array<i64: 1, 1024, 1024>}, {transform_indices = @transform_6, window_bounds = array<i64: 1, 1024, 1024>}, {transform_indices = @transform_7, window_bounds = array<i64: 1, 1024, 1024>}, {transform_indices = @transform_8, window_bounds = array<i64: 1, 1024, 1024>}, {transform_indices = @transform_9, window_bounds = array<i64: 1, 1024, 1024>}, {transform_indices = @transform_10, window_bounds = array<i64: 1, 1, 1024>}, {transform_indices = @transform_11, window_bounds = array<i64: 1, 1, 1024>}, {transform_indices = @transform_12, window_bounds = array<i64: 1, 1, 1024>}, {transform_indices = @transform_13, window_bounds = array<i64: 1, 1, 1024>}, {transform_indices = @transform_14, window_bounds = array<i64: 1, 1, 1024>}, {transform_indices = @transform_15, window_bounds = array<i64: 1, 1, 1024>}, {pipeline_mode = #tpu.pipeline_mode<synchronous>, transform_indices = @transform_16, window_bounds = array<i64: 2048, 1024>}, {pipeline_mode = #tpu.pipeline_mode<synchronous>, transform_indices = @transform_17, window_bounds = array<i64: 2048, 1024>}]} {
    %eq3A = arith.constant 0 : i32
    %eq3A_0 = arith.cmpi eq, %arg0, %eq3A : i32
    %eq3A_1 = arith.constant 0 : i32
    %eq3A_2 = arith.cmpi eq, %arg1, %eq3A_1 : i32
    %and3A = arith.andi %eq3A_0, %eq3A_2 : i1
    %convert_element_type3A = arith.extui %and3A : i1 to i32
    %cond3A = arith.constant 0 : i32
    %cond3A_3 = arith.cmpi ne, %convert_element_type3A, %cond3A : i32
    scf.if %cond3A_3 {
      %broadcast_in_dim3A = arith.constant 0.000000e+00 : f32
      %broadcast_in_dim3A_10 = vector.broadcast %broadcast_in_dim3A : f32 to vector<2048x1024xf32>
      %swap3A = arith.constant 0 : index
      %swap3A_11 = arith.constant 0 : index
      %swap3A_12 = vector.load %arg21[%swap3A, %swap3A_11] : memref<2048x1024xf32, #tpu.memory_space<vmem>>, vector<2048x1024xf32>
      tpu.vector_store %arg21[%swap3A, %swap3A_11], %broadcast_in_dim3A_10 {strides = array<i32>} : memref<2048x1024xf32, #tpu.memory_space<vmem>>, vector<2048x1024xf32>,
      %broadcast_in_dim3A_13 = arith.constant 0.000000e+00 : f32
      %broadcast_in_dim3A_14 = vector.broadcast %broadcast_in_dim3A_13 : f32 to vector<2048x1024xf32>
      %swap3A_15 = arith.constant 0 : index
      %swap3A_16 = arith.constant 0 : index
      %swap3A_17 = vector.load %arg22[%swap3A_15, %swap3A_16] : memref<2048x1024xf32, #tpu.memory_space<vmem>>, vector<2048x1024xf32>
      tpu.vector_store %arg22[%swap3A_15, %swap3A_16], %broadcast_in_dim3A_14 {strides = array<i32>} : memref<2048x1024xf32, #tpu.memory_space<vmem>>, vector<2048x1024xf32>,
    } else {
    }
    %get3A = arith.index_cast %arg0 : i32 to index
    %get3A_4 = memref.load %arg4[%get3A] : memref<24xi32, #tpu.memory_space<smem>>
    %eq3A_5 = arith.constant 1 : i32
    %eq3A_6 = arith.cmpi eq, %get3A_4, %eq3A_5 : i32
    %convert_element_type3A_7 = arith.extui %eq3A_6 : i1 to i32
    %cond3A_8 = arith.constant 0 : i32
    %cond3A_9 = arith.cmpi ne, %convert_element_type3A_7, %cond3A_8 : i32
    scf.if %cond3A_9 {
      %eq3A_10 = arith.constant 0 : i32
      %eq3A_11 = arith.cmpi eq, %arg1, %eq3A_10 : i32
      %convert_element_type3A_12 = arith.extui %eq3A_11 : i1 to i32
      %cond3A_13 = arith.constant 0 : i32
      %cond3A_14 = arith.cmpi ne, %convert_element_type3A_12, %cond3A_13 : i32
      scf.if %cond3A_14 {
        %get3A_135 = arith.constant 0 : index
        %get3A_136 = arith.constant 0 : index
        %get3A_137 = arith.constant 0 : index
        %get3A_138 = vector.load %arg7[%get3A_135, %get3A_136, %get3A_137] : memref<1x1x256xi32, #tpu.memory_space<vmem>>, vector<1x1x256xi32>
        %get3A_139 = vector.shape_cast %get3A_138 : vector<1x1x256xi32> to vector<256xi32>
        %iota3A = tpu.iota {dimensions = array<i32: 1>} : vector<256x2048xi32>
        %broadcast_in_dim3A = vector.shape_cast %get3A_139 : vector<256xi32> to vector<256x1xi32>
        %eq3A_140 = vector.broadcast %broadcast_in_dim3A : vector<256x1xi32> to vector<256x2048xi32>
        %eq3A_141 = arith.cmpi eq, %eq3A_140, %iota3A : vector<256x2048xi32>
        %convert_element_type3A_142 = arith.extui %eq3A_141 : vector<256x2048xi1> to vector<256x2048xi32>
        %convert_element_type3A_143 = arith.sitofp %convert_element_type3A_142 : vector<256x2048xi32> to vector<256x2048xf32>
        %convert_element_type3A_144 = arith.truncf %convert_element_type3A_143 : vector<256x2048xf32> to vector<256x2048xbf16>
        %swap3A = arith.constant 0 : index
        %swap3A_145 = arith.constant 0 : index
        %swap3A_146 = vector.load %arg23[%swap3A, %swap3A_145] : memref<256x2048xbf16, #tpu.memory_space<vmem>>, vector<256x2048xbf16>
        tpu.vector_store %arg23[%swap3A, %swap3A_145], %convert_element_type3A_144 {strides = array<i32>} : memref<256x2048xbf16, #tpu.memory_space<vmem>>, vector<256x2048xbf16>,
        %get3A_147 = arith.constant 0 : index
        %get3A_148 = arith.constant 0 : index
        %get3A_149 = vector.load %arg5[%get3A_147, %get3A_148] : memref<2048x1024xbf16, #tpu.memory_space<vmem>>, vector<2048x1024xbf16>
        %dot_general3A_150 = arith.constant dense<0.000000e+00> : vector<256x1024xf32>
        %dot_general3A_151 = tpu.matmul %convert_element_type3A_144, %get3A_149, %dot_general3A_150 {dimension_numbers = #tpu.dot_dimension_numbers<[1], [0], [0], [1], [0, 0, 1, 1], [], []>, transpose_lhs_hint = false} : vector<256x2048xbf16>, vector<2048x1024xbf16>, vector<256x1024xf32> -> vector<256x1024xf32>
        %convert_element_type3A_152 = arith.truncf %dot_general3A_151 : vector<256x1024xf32> to vector<256x1024xbf16>
        %swap3A_153 = arith.constant 0 : index
        %swap3A_154 = arith.constant 0 : index
        %swap3A_155 = vector.load %arg24[%swap3A_153, %swap3A_154] : memref<256x1024xbf16, #tpu.memory_space<vmem>>, vector<256x1024xbf16>
        tpu.vector_store %arg24[%swap3A_153, %swap3A_154], %convert_element_type3A_152 {strides = array<i32>} : memref<256x1024xbf16, #tpu.memory_space<vmem>>, vector<256x1024xbf16>,
        %get3A_156 = arith.constant 0 : index
        %get3A_157 = arith.constant 0 : index
        %get3A_158 = vector.load %arg6[%get3A_156, %get3A_157] : memref<2048x1024xbf16, #tpu.memory_space<vmem>>, vector<2048x1024xbf16>
        %dot_general3A_159 = arith.constant dense<0.000000e+00> : vector<256x1024xf32>
        %dot_general3A_160 = tpu.matmul %convert_element_type3A_144, %get3A_158, %dot_general3A_159 {dimension_numbers = #tpu.dot_dimension_numbers<[1], [0], [0], [1], [0, 0, 1, 1], [], []>, transpose_lhs_hint = false} : vector<256x2048xbf16>, vector<2048x1024xbf16>, vector<256x1024xf32> -> vector<256x1024xf32>
        %convert_element_type3A_161 = arith.truncf %dot_general3A_160 : vector<256x1024xf32> to vector<256x1024xbf16>
        %swap3A_162 = arith.constant 0 : index
        %swap3A_163 = arith.constant 0 : index
        %swap3A_164 = vector.load %arg25[%swap3A_162, %swap3A_163] : memref<256x1024xbf16, #tpu.memory_space<vmem>>, vector<256x1024xbf16>
        tpu.vector_store %arg25[%swap3A_162, %swap3A_163], %convert_element_type3A_161 {strides = array<i32>} : memref<256x1024xbf16, #tpu.memory_space<vmem>>, vector<256x1024xbf16>,
      } else {
      }
      %get3A_15 = arith.constant 0 : index
      %get3A_16 = arith.constant 0 : index
      %get3A_17 = vector.load %arg24[%get3A_15, %get3A_16] : memref<256x1024xbf16, #tpu.memory_space<vmem>>, vector<256x1024xbf16>
      %get3A_18 = arith.constant 0 : index
      %get3A_19 = arith.constant 0 : index
      %get3A_20 = vector.load %arg25[%get3A_18, %get3A_19] : memref<256x1024xbf16, #tpu.memory_space<vmem>>, vector<256x1024xbf16>
      %get3A_21 = arith.constant 0 : index
      %get3A_22 = arith.constant 0 : index
      %get3A_23 = arith.constant 0 : index
      %get3A_24 = vector.load %arg9[%get3A_21, %get3A_22, %get3A_23] : memref<1x1024x1024xbf16, #tpu.memory_space<vmem>>, vector<1x1024x1024xbf16>
      %get3A_25 = vector.shape_cast %get3A_24 : vector<1x1024x1024xbf16> to vector<1024x1024xbf16>
      %get3A_26 = arith.constant 0 : index
      %get3A_27 = arith.constant 0 : index
      %get3A_28 = arith.constant 0 : index
      %get3A_29 = vector.load %arg10[%get3A_26, %get3A_27, %get3A_28] : memref<1x1024x1024xbf16, #tpu.memory_space<vmem>>, vector<1x1024x1024xbf16>
      %get3A_30 = vector.shape_cast %get3A_29 : vector<1x1024x1024xbf16> to vector<1024x1024xbf16>
      %dot_general3A = arith.constant dense<0.000000e+00> : vector<256x1024xf32>
      %dot_general3A_31 = tpu.matmul %get3A_17, %get3A_25, %dot_general3A {dimension_numbers = #tpu.dot_dimension_numbers<[1], [1], [0], [0], [0, 0, 1, 0], [], []>, transpose_lhs_hint = false} : vector<256x1024xbf16>, vector<1024x1024xbf16>, vector<256x1024xf32> -> vector<256x1024xf32>
      %dot_general3A_32 = arith.constant dense<0.000000e+00> : vector<256x1024xf32>
      %dot_general3A_33 = tpu.matmul %get3A_20, %get3A_30, %dot_general3A_32 {dimension_numbers = #tpu.dot_dimension_numbers<[1], [1], [0], [0], [0, 0, 1, 0], [], []>, transpose_lhs_hint = false} : vector<256x1024xbf16>, vector<1024x1024xbf16>, vector<256x1024xf32> -> vector<256x1024xf32>
      %sub3A = arith.subf %dot_general3A_31, %dot_general3A_33 : vector<256x1024xf32>
      %get3A_34 = arith.constant 0 : index
      %get3A_35 = arith.constant 0 : index
      %get3A_36 = arith.constant 0 : index
      %get3A_37 = vector.load %arg15[%get3A_34, %get3A_35, %get3A_36] : memref<1x1x1024xf32, #tpu.memory_space<vmem>>, vector<1x1x1024xf32>
      %get3A_38 = vector.shape_cast %get3A_37 : vector<1x1x1024xf32> to vector<1x1024xf32>
      %add3A = vector.broadcast %get3A_38 : vector<1x1024xf32> to vector<256x1024xf32>
      %add3A_39 = arith.addf %sub3A, %add3A : vector<256x1024xf32>
      %dot_general3A_40 = arith.constant dense<0.000000e+00> : vector<256x1024xf32>
      %dot_general3A_41 = tpu.matmul %get3A_20, %get3A_25, %dot_general3A_40 {dimension_numbers = #tpu.dot_dimension_numbers<[1], [1], [0], [0], [0, 0, 1, 0], [], []>, transpose_lhs_hint = false} : vector<256x1024xbf16>, vector<1024x1024xbf16>, vector<256x1024xf32> -> vector<256x1024xf32>
      %dot_general3A_42 = arith.constant dense<0.000000e+00> : vector<256x1024xf32>
      %dot_general3A_43 = tpu.matmul %get3A_17, %get3A_30, %dot_general3A_42 {dimension_numbers = #tpu.dot_dimension_numbers<[1], [1], [0], [0], [0, 0, 1, 0], [], []>, transpose_lhs_hint = false} : vector<256x1024xbf16>, vector<1024x1024xbf16>, vector<256x1024xf32> -> vector<256x1024xf32>
      %add3A_44 = arith.addf %dot_general3A_41, %dot_general3A_43 : vector<256x1024xf32>
      %get3A_45 = arith.constant 0 : index
      %get3A_46 = arith.constant 0 : index
      %get3A_47 = arith.constant 0 : index
      %get3A_48 = vector.load %arg16[%get3A_45, %get3A_46, %get3A_47] : memref<1x1x1024xf32, #tpu.memory_space<vmem>>, vector<1x1x1024xf32>
      %get3A_49 = vector.shape_cast %get3A_48 : vector<1x1x1024xf32> to vector<1x1024xf32>
      %add3A_50 = vector.broadcast %get3A_49 : vector<1x1024xf32> to vector<256x1024xf32>
      %add3A_51 = arith.addf %add3A_44, %add3A_50 : vector<256x1024xf32>
      %mul3A = arith.mulf %add3A_39, %add3A_39 : vector<256x1024xf32>
      %mul3A_52 = arith.mulf %add3A_51, %add3A_51 : vector<256x1024xf32>
      %add3A_53 = arith.addf %mul3A, %mul3A_52 : vector<256x1024xf32>
      %add3A_54 = arith.constant 9.99999993E-9 : f32
      %add3A_55 = vector.broadcast %add3A_54 : f32 to vector<256x1024xf32>
      %add3A_56 = arith.addf %add3A_53, %add3A_55 : vector<256x1024xf32>
      %sqrt3A = math.sqrt %add3A_56 : vector<256x1024xf32>
      %logistic3A = arith.negf %sqrt3A : vector<256x1024xf32>
      %logistic3A_57 = math.exp %logistic3A : vector<256x1024xf32>
      %logistic3A_58 = arith.constant 1.000000e+00 : f32
      %logistic3A_59 = vector.broadcast %logistic3A_58 : f32 to vector<256x1024xf32>
      %logistic3A_60 = arith.addf %logistic3A_59, %logistic3A_57 : vector<256x1024xf32>
      %logistic3A_61 = arith.divf %logistic3A_59, %logistic3A_60 : vector<256x1024xf32>
      %mul3A_62 = arith.mulf %sqrt3A, %logistic3A_61 : vector<256x1024xf32>
      %get3A_63 = arith.constant 0 : index
      %get3A_64 = arith.constant 0 : index
      %get3A_65 = arith.constant 0 : index
      %get3A_66 = vector.load %arg11[%get3A_63, %get3A_64, %get3A_65] : memref<1x1024x1024xbf16, #tpu.memory_space<vmem>>, vector<1x1024x1024xbf16>
      %get3A_67 = vector.shape_cast %get3A_66 : vector<1x1024x1024xbf16> to vector<1024x1024xbf16>
      %get3A_68 = arith.constant 0 : index
      %get3A_69 = arith.constant 0 : index
      %get3A_70 = arith.constant 0 : index
      %get3A_71 = vector.load %arg12[%get3A_68, %get3A_69, %get3A_70] : memref<1x1024x1024xbf16, #tpu.memory_space<vmem>>, vector<1x1024x1024xbf16>
      %get3A_72 = vector.shape_cast %get3A_71 : vector<1x1024x1024xbf16> to vector<1024x1024xbf16>
      %dot_general3A_73 = arith.constant dense<0.000000e+00> : vector<256x1024xf32>
      %dot_general3A_74 = tpu.matmul %get3A_17, %get3A_67, %dot_general3A_73 {dimension_numbers = #tpu.dot_dimension_numbers<[1], [1], [0], [0], [0, 0, 1, 0], [], []>, transpose_lhs_hint = false} : vector<256x1024xbf16>, vector<1024x1024xbf16>, vector<256x1024xf32> -> vector<256x1024xf32>
      %dot_general3A_75 = arith.constant dense<0.000000e+00> : vector<256x1024xf32>
      %dot_general3A_76 = tpu.matmul %get3A_20, %get3A_72, %dot_general3A_75 {dimension_numbers = #tpu.dot_dimension_numbers<[1], [1], [0], [0], [0, 0, 1, 0], [], []>, transpose_lhs_hint = false} : vector<256x1024xbf16>, vector<1024x1024xbf16>, vector<256x1024xf32> -> vector<256x1024xf32>
      %sub3A_77 = arith.subf %dot_general3A_74, %dot_general3A_76 : vector<256x1024xf32>
      %get3A_78 = arith.constant 0 : index
      %get3A_79 = arith.constant 0 : index
      %get3A_80 = arith.constant 0 : index
      %get3A_81 = vector.load %arg17[%get3A_78, %get3A_79, %get3A_80] : memref<1x1x1024xf32, #tpu.memory_space<vmem>>, vector<1x1x1024xf32>
      %get3A_82 = vector.shape_cast %get3A_81 : vector<1x1x1024xf32> to vector<1x1024xf32>
      %add3A_83 = vector.broadcast %get3A_82 : vector<1x1024xf32> to vector<256x1024xf32>
      %add3A_84 = arith.addf %sub3A_77, %add3A_83 : vector<256x1024xf32>
      %dot_general3A_85 = arith.constant dense<0.000000e+00> : vector<256x1024xf32>
      %dot_general3A_86 = tpu.matmul %get3A_20, %get3A_67, %dot_general3A_85 {dimension_numbers = #tpu.dot_dimension_numbers<[1], [1], [0], [0], [0, 0, 1, 0], [], []>, transpose_lhs_hint = false} : vector<256x1024xbf16>, vector<1024x1024xbf16>, vector<256x1024xf32> -> vector<256x1024xf32>
      %dot_general3A_87 = arith.constant dense<0.000000e+00> : vector<256x1024xf32>
      %dot_general3A_88 = tpu.matmul %get3A_17, %get3A_72, %dot_general3A_87 {dimension_numbers = #tpu.dot_dimension_numbers<[1], [1], [0], [0], [0, 0, 1, 0], [], []>, transpose_lhs_hint = false} : vector<256x1024xbf16>, vector<1024x1024xbf16>, vector<256x1024xf32> -> vector<256x1024xf32>
      %add3A_89 = arith.addf %dot_general3A_86, %dot_general3A_88 : vector<256x1024xf32>
      %get3A_90 = arith.constant 0 : index
      %get3A_91 = arith.constant 0 : index
      %get3A_92 = arith.constant 0 : index
      %get3A_93 = vector.load %arg18[%get3A_90, %get3A_91, %get3A_92] : memref<1x1x1024xf32, #tpu.memory_space<vmem>>, vector<1x1x1024xf32>
      %get3A_94 = vector.shape_cast %get3A_93 : vector<1x1x1024xf32> to vector<1x1024xf32>
      %add3A_95 = vector.broadcast %get3A_94 : vector<1x1024xf32> to vector<256x1024xf32>
      %add3A_96 = arith.addf %add3A_89, %add3A_95 : vector<256x1024xf32>
      %mul3A_97 = arith.mulf %mul3A_62, %add3A_84 : vector<256x1024xf32>
      %convert_element_type3A_98 = arith.truncf %mul3A_97 : vector<256x1024xf32> to vector<256x1024xbf16>
      %mul3A_99 = arith.mulf %mul3A_62, %add3A_96 : vector<256x1024xf32>
      %convert_element_type3A_100 = arith.truncf %mul3A_99 : vector<256x1024xf32> to vector<256x1024xbf16>
      %get3A_101 = arith.constant 0 : index
      %get3A_102 = arith.constant 0 : index
      %get3A_103 = arith.constant 0 : index
      %get3A_104 = vector.load %arg13[%get3A_101, %get3A_102, %get3A_103] : memref<1x1024x1024xbf16, #tpu.memory_space<vmem>>, vector<1x1024x1024xbf16>
      %get3A_105 = vector.shape_cast %get3A_104 : vector<1x1024x1024xbf16> to vector<1024x1024xbf16>
      %get3A_106 = arith.constant 0 : index
      %get3A_107 = arith.constant 0 : index
      %get3A_108 = arith.constant 0 : index
      %get3A_109 = vector.load %arg14[%get3A_106, %get3A_107, %get3A_108] : memref<1x1024x1024xbf16, #tpu.memory_space<vmem>>, vector<1x1024x1024xbf16>
      %get3A_110 = vector.shape_cast %get3A_109 : vector<1x1024x1024xbf16> to vector<1024x1024xbf16>
      %dot_general3A_111 = arith.constant dense<0.000000e+00> : vector<256x1024xf32>
      %dot_general3A_112 = tpu.matmul %convert_element_type3A_98, %get3A_105, %dot_general3A_111 {dimension_numbers = #tpu.dot_dimension_numbers<[1], [1], [0], [0], [0, 0, 1, 0], [], []>, transpose_lhs_hint = false} : vector<256x1024xbf16>, vector<1024x1024xbf16>, vector<256x1024xf32> -> vector<256x1024xf32>
      %dot_general3A_113 = arith.constant dense<0.000000e+00> : vector<256x1024xf32>
      %dot_general3A_114 = tpu.matmul %convert_element_type3A_100, %get3A_110, %dot_general3A_113 {dimension_numbers = #tpu.dot_dimension_numbers<[1], [1], [0], [0], [0, 0, 1, 0], [], []>, transpose_lhs_hint = false} : vector<256x1024xbf16>, vector<1024x1024xbf16>, vector<256x1024xf32> -> vector<256x1024xf32>
      %sub3A_115 = arith.subf %dot_general3A_112, %dot_general3A_114 : vector<256x1024xf32>
      %dot_general3A_116 = arith.constant dense<0.000000e+00> : vector<256x1024xf32>
      %dot_general3A_117 = tpu.matmul %convert_element_type3A_100, %get3A_105, %dot_general3A_116 {dimension_numbers = #tpu.dot_dimension_numbers<[1], [1], [0], [0], [0, 0, 1, 0], [], []>, transpose_lhs_hint = false} : vector<256x1024xbf16>, vector<1024x1024xbf16>, vector<256x1024xf32> -> vector<256x1024xf32>
      %dot_general3A_118 = arith.constant dense<0.000000e+00> : vector<256x1024xf32>
      %dot_general3A_119 = tpu.matmul %convert_element_type3A_98, %get3A_110, %dot_general3A_118 {dimension_numbers = #tpu.dot_dimension_numbers<[1], [1], [0], [0], [0, 0, 1, 0], [], []>, transpose_lhs_hint = false} : vector<256x1024xbf16>, vector<1024x1024xbf16>, vector<256x1024xf32> -> vector<256x1024xf32>
      %add3A_120 = arith.addf %dot_general3A_117, %dot_general3A_119 : vector<256x1024xf32>
      %eq3A_121 = arith.constant 0 : i32
      %eq3A_122 = arith.cmpi eq, %arg1, %eq3A_121 : i32
      %convert_element_type3A_123 = arith.extui %eq3A_122 : i1 to i32
      %cond3A_124 = arith.constant 0 : i32
      %cond3A_125 = arith.cmpi ne, %convert_element_type3A_123, %cond3A_124 : i32
      scf.if %cond3A_125 {
        %swap3A = arith.constant 0 : index
        %swap3A_135 = arith.constant 0 : index
        %swap3A_136 = vector.load %arg26[%swap3A, %swap3A_135] : memref<256x1024xf32, #tpu.memory_space<vmem>>, vector<256x1024xf32>
        tpu.vector_store %arg26[%swap3A, %swap3A_135], %sub3A_115 {strides = array<i32>} : memref<256x1024xf32, #tpu.memory_space<vmem>>, vector<256x1024xf32>,
        %swap3A_137 = arith.constant 0 : index
        %swap3A_138 = arith.constant 0 : index
        %swap3A_139 = vector.load %arg27[%swap3A_137, %swap3A_138] : memref<256x1024xf32, #tpu.memory_space<vmem>>, vector<256x1024xf32>
        tpu.vector_store %arg27[%swap3A_137, %swap3A_138], %add3A_120 {strides = array<i32>} : memref<256x1024xf32, #tpu.memory_space<vmem>>, vector<256x1024xf32>,
      } else {
      }
      %gt3A = arith.constant 0 : i32
      %gt3A_126 = arith.cmpi sgt, %arg1, %gt3A : i32
      %convert_element_type3A_127 = arith.extui %gt3A_126 : i1 to i32
      %cond3A_128 = arith.constant 0 : i32
      %cond3A_129 = arith.cmpi ne, %convert_element_type3A_127, %cond3A_128 : i32
      scf.if %cond3A_129 {
        %get3A_135 = arith.constant 0 : index
        %get3A_136 = arith.constant 0 : index
        %get3A_137 = vector.load %arg26[%get3A_135, %get3A_136] : memref<256x1024xf32, #tpu.memory_space<vmem>>, vector<256x1024xf32>
        %add3A_138 = arith.addf %get3A_137, %sub3A_115 : vector<256x1024xf32>
        %swap3A = arith.constant 0 : index
        %swap3A_139 = arith.constant 0 : index
        %swap3A_140 = vector.load %arg26[%swap3A, %swap3A_139] : memref<256x1024xf32, #tpu.memory_space<vmem>>, vector<256x1024xf32>
        tpu.vector_store %arg26[%swap3A, %swap3A_139], %add3A_138 {strides = array<i32>} : memref<256x1024xf32, #tpu.memory_space<vmem>>, vector<256x1024xf32>,
        %get3A_141 = arith.constant 0 : index
        %get3A_142 = arith.constant 0 : index
        %get3A_143 = vector.load %arg27[%get3A_141, %get3A_142] : memref<256x1024xf32, #tpu.memory_space<vmem>>, vector<256x1024xf32>
        %add3A_144 = arith.addf %get3A_143, %add3A_120 : vector<256x1024xf32>
        %swap3A_145 = arith.constant 0 : index
        %swap3A_146 = arith.constant 0 : index
        %swap3A_147 = vector.load %arg27[%swap3A_145, %swap3A_146] : memref<256x1024xf32, #tpu.memory_space<vmem>>, vector<256x1024xf32>
        tpu.vector_store %arg27[%swap3A_145, %swap3A_146], %add3A_144 {strides = array<i32>} : memref<256x1024xf32, #tpu.memory_space<vmem>>, vector<256x1024xf32>,
      } else {
      }
      %eq3A_130 = arith.constant 1 : i32
      %eq3A_131 = arith.cmpi eq, %arg1, %eq3A_130 : i32
      %convert_element_type3A_132 = arith.extui %eq3A_131 : i1 to i32
      %cond3A_133 = arith.constant 0 : i32
      %cond3A_134 = arith.cmpi ne, %convert_element_type3A_132, %cond3A_133 : i32
      scf.if %cond3A_134 {
        %get3A_135 = arith.constant 0 : index
        %get3A_136 = arith.constant 0 : index
        %get3A_137 = arith.constant 0 : index
        %get3A_138 = vector.load %arg8[%get3A_135, %get3A_136, %get3A_137] : memref<1x1x256xf32, #tpu.memory_space<vmem>>, vector<1x1x256xf32>
        %get3A_139 = vector.shape_cast %get3A_138 : vector<1x1x256xf32> to vector<256xf32>
        %get3A_140 = arith.constant 0 : index
        %get3A_141 = arith.constant 0 : index
        %get3A_142 = vector.load %arg26[%get3A_140, %get3A_141] : memref<256x1024xf32, #tpu.memory_space<vmem>>, vector<256x1024xf32>
        %get3A_143 = arith.constant 0 : index
        %get3A_144 = arith.constant 0 : index
        %get3A_145 = arith.constant 0 : index
        %get3A_146 = vector.load %arg19[%get3A_143, %get3A_144, %get3A_145] : memref<1x1x1024xf32, #tpu.memory_space<vmem>>, vector<1x1x1024xf32>
        %get3A_147 = vector.shape_cast %get3A_146 : vector<1x1x1024xf32> to vector<1x1024xf32>
        %add3A_148 = vector.broadcast %get3A_147 : vector<1x1024xf32> to vector<256x1024xf32>
        %add3A_149 = arith.addf %get3A_142, %add3A_148 : vector<256x1024xf32>
        %get3A_150 = arith.constant 0 : index
        %get3A_151 = arith.constant 0 : index
        %get3A_152 = vector.load %arg27[%get3A_150, %get3A_151] : memref<256x1024xf32, #tpu.memory_space<vmem>>, vector<256x1024xf32>
        %get3A_153 = arith.constant 0 : index
        %get3A_154 = arith.constant 0 : index
        %get3A_155 = arith.constant 0 : index
        %get3A_156 = vector.load %arg20[%get3A_153, %get3A_154, %get3A_155] : memref<1x1x1024xf32, #tpu.memory_space<vmem>>, vector<1x1x1024xf32>
        %get3A_157 = vector.shape_cast %get3A_156 : vector<1x1x1024xf32> to vector<1x1024xf32>
        %add3A_158 = vector.broadcast %get3A_157 : vector<1x1024xf32> to vector<256x1024xf32>
        %add3A_159 = arith.addf %get3A_152, %add3A_158 : vector<256x1024xf32>
        %broadcast_in_dim3A = vector.shape_cast %get3A_139 : vector<256xf32> to vector<256x1xf32>
        %mul3A_160 = vector.broadcast %broadcast_in_dim3A : vector<256x1xf32> to vector<256x1024xf32>
        %mul3A_161 = arith.mulf %mul3A_160, %add3A_149 : vector<256x1024xf32>
        %convert_element_type3A_162 = arith.truncf %mul3A_161 : vector<256x1024xf32> to vector<256x1024xbf16>
        %broadcast_in_dim3A_163 = vector.shape_cast %get3A_139 : vector<256xf32> to vector<256x1xf32>
        %mul3A_164 = vector.broadcast %broadcast_in_dim3A_163 : vector<256x1xf32> to vector<256x1024xf32>
        %mul3A_165 = arith.mulf %mul3A_164, %add3A_159 : vector<256x1024xf32>
        %convert_element_type3A_166 = arith.truncf %mul3A_165 : vector<256x1024xf32> to vector<256x1024xbf16>
        %get3A_167 = arith.constant 0 : index
        %get3A_168 = arith.constant 0 : index
        %get3A_169 = vector.load %arg23[%get3A_167, %get3A_168] : memref<256x2048xbf16, #tpu.memory_space<vmem>>, vector<256x2048xbf16>
        %get3A_170 = arith.constant 0 : index
        %get3A_171 = arith.constant 0 : index
        %get3A_172 = vector.load %arg21[%get3A_170, %get3A_171] : memref<2048x1024xf32, #tpu.memory_space<vmem>>, vector<2048x1024xf32>
        %dot_general3A_173 = arith.constant dense<0.000000e+00> : vector<2048x1024xf32>
        %dot_general3A_174 = tpu.matmul %get3A_169, %convert_element_type3A_162, %dot_general3A_173 {dimension_numbers = #tpu.dot_dimension_numbers<[0], [0], [1], [1], [0, 1, 1, 1], [], []>, transpose_lhs_hint = false} : vector<256x2048xbf16>, vector<256x1024xbf16>, vector<2048x1024xf32> -> vector<2048x1024xf32>
        %add3A_175 = arith.addf %get3A_172, %dot_general3A_174 : vector<2048x1024xf32>
        %swap3A = arith.constant 0 : index
        %swap3A_176 = arith.constant 0 : index
        %swap3A_177 = vector.load %arg21[%swap3A, %swap3A_176] : memref<2048x1024xf32, #tpu.memory_space<vmem>>, vector<2048x1024xf32>
        tpu.vector_store %arg21[%swap3A, %swap3A_176], %add3A_175 {strides = array<i32>} : memref<2048x1024xf32, #tpu.memory_space<vmem>>, vector<2048x1024xf32>,
        %get3A_178 = arith.constant 0 : index
        %get3A_179 = arith.constant 0 : index
        %get3A_180 = vector.load %arg22[%get3A_178, %get3A_179] : memref<2048x1024xf32, #tpu.memory_space<vmem>>, vector<2048x1024xf32>
        %dot_general3A_181 = arith.constant dense<0.000000e+00> : vector<2048x1024xf32>
        %dot_general3A_182 = tpu.matmul %get3A_169, %convert_element_type3A_166, %dot_general3A_181 {dimension_numbers = #tpu.dot_dimension_numbers<[0], [0], [1], [1], [0, 1, 1, 1], [], []>, transpose_lhs_hint = false} : vector<256x2048xbf16>, vector<256x1024xbf16>, vector<2048x1024xf32> -> vector<2048x1024xf32>
        %add3A_183 = arith.addf %get3A_180, %dot_general3A_182 : vector<2048x1024xf32>
        %swap3A_184 = arith.constant 0 : index
        %swap3A_185 = arith.constant 0 : index
        %swap3A_186 = vector.load %arg22[%swap3A_184, %swap3A_185] : memref<2048x1024xf32, #tpu.memory_space<vmem>>, vector<2048x1024xf32>
        tpu.vector_store %arg22[%swap3A_184, %swap3A_185], %add3A_183 {strides = array<i32>} : memref<2048x1024xf32, #tpu.memory_space<vmem>>, vector<2048x1024xf32>,
      } else {
      }
    } else {
    }
    return
  }
  func.func @transform_0(%arg0: i32, %arg1: i32, %arg2: memref<24xi32, #tpu.memory_space<smem>>, %arg3: memref<24xi32, #tpu.memory_space<smem>>, %arg4: memref<24xi32, #tpu.memory_space<smem>>) -> (i32, i32) {
    %c0_i32 = arith.constant 0 : i32
    %c0_i32_0 = arith.constant 0 : i32
    %c0_i32_1 = arith.constant 0 : i32
    return %c0_i32, %c0_i32_0 : i32, i32
  }
  func.func @transform_1(%arg0: i32, %arg1: i32, %arg2: memref<24xi32, #tpu.memory_space<smem>>, %arg3: memref<24xi32, #tpu.memory_space<smem>>, %arg4: memref<24xi32, #tpu.memory_space<smem>>) -> (i32, i32) {
    %c0_i32 = arith.constant 0 : i32
    %c0_i32_0 = arith.constant 0 : i32
    %c0_i32_1 = arith.constant 0 : i32
    return %c0_i32, %c0_i32_0 : i32, i32
  }
  func.func @transform_2(%arg0: i32, %arg1: i32, %arg2: memref<24xi32, #tpu.memory_space<smem>>, %arg3: memref<24xi32, #tpu.memory_space<smem>>, %arg4: memref<24xi32, #tpu.memory_space<smem>>) -> (i32, i32, i32) {
    %get3A = arith.index_cast %arg0 : i32 to index
    %get3A_0 = memref.load %arg3[%get3A] : memref<24xi32, #tpu.memory_space<smem>>
    %c0_i32 = arith.constant 0 : i32
    %c0_i32_1 = arith.constant 0 : i32
    %c0_i32_2 = arith.constant 0 : i32
    return %get3A_0, %c0_i32, %c0_i32_1 : i32, i32, i32
  }
  func.func @transform_3(%arg0: i32, %arg1: i32, %arg2: memref<24xi32, #tpu.memory_space<smem>>, %arg3: memref<24xi32, #tpu.memory_space<smem>>, %arg4: memref<24xi32, #tpu.memory_space<smem>>) -> (i32, i32, i32) {
    %get3A = arith.index_cast %arg0 : i32 to index
    %get3A_0 = memref.load %arg3[%get3A] : memref<24xi32, #tpu.memory_space<smem>>
    %c0_i32 = arith.constant 0 : i32
    %c0_i32_1 = arith.constant 0 : i32
    %c0_i32_2 = arith.constant 0 : i32
    return %get3A_0, %c0_i32, %c0_i32_1 : i32, i32, i32
  }
  func.func @transform_4(%arg0: i32, %arg1: i32, %arg2: memref<24xi32, #tpu.memory_space<smem>>, %arg3: memref<24xi32, #tpu.memory_space<smem>>, %arg4: memref<24xi32, #tpu.memory_space<smem>>) -> (i32, i32, i32) {
    %get3A = arith.index_cast %arg0 : i32 to index
    %get3A_0 = memref.load %arg2[%get3A] : memref<24xi32, #tpu.memory_space<smem>>
    %get3A_1 = arith.index_cast %arg0 : i32 to index
    %get3A_2 = memref.load %arg4[%get3A_1] : memref<24xi32, #tpu.memory_space<smem>>
    %eq3A = arith.constant 1 : i32
    %eq3A_3 = arith.cmpi eq, %get3A_2, %eq3A : i32
    %jit3A = arith.constant 1 : i32
    %select_n3A = arith.select %eq3A_3, %arg1, %jit3A : i32
    %c0_i32 = arith.constant 0 : i32
    %c0_i32_4 = arith.constant 0 : i32
    return %get3A_0, %select_n3A, %c0_i32 : i32, i32, i32
  }
  func.func @transform_5(%arg0: i32, %arg1: i32, %arg2: memref<24xi32, #tpu.memory_space<smem>>, %arg3: memref<24xi32, #tpu.memory_space<smem>>, %arg4: memref<24xi32, #tpu.memory_space<smem>>) -> (i32, i32, i32) {
    %get3A = arith.index_cast %arg0 : i32 to index
    %get3A_0 = memref.load %arg2[%get3A] : memref<24xi32, #tpu.memory_space<smem>>
    %get3A_1 = arith.index_cast %arg0 : i32 to index
    %get3A_2 = memref.load %arg4[%get3A_1] : memref<24xi32, #tpu.memory_space<smem>>
    %eq3A = arith.constant 1 : i32
    %eq3A_3 = arith.cmpi eq, %get3A_2, %eq3A : i32
    %jit3A = arith.constant 1 : i32
    %select_n3A = arith.select %eq3A_3, %arg1, %jit3A : i32
    %c0_i32 = arith.constant 0 : i32
    %c0_i32_4 = arith.constant 0 : i32
    return %get3A_0, %select_n3A, %c0_i32 : i32, i32, i32
  }
  func.func @transform_6(%arg0: i32, %arg1: i32, %arg2: memref<24xi32, #tpu.memory_space<smem>>, %arg3: memref<24xi32, #tpu.memory_space<smem>>, %arg4: memref<24xi32, #tpu.memory_space<smem>>) -> (i32, i32, i32) {
    %get3A = arith.index_cast %arg0 : i32 to index
    %get3A_0 = memref.load %arg2[%get3A] : memref<24xi32, #tpu.memory_space<smem>>
    %get3A_1 = arith.index_cast %arg0 : i32 to index
    %get3A_2 = memref.load %arg4[%get3A_1] : memref<24xi32, #tpu.memory_space<smem>>
    %eq3A = arith.constant 1 : i32
    %eq3A_3 = arith.cmpi eq, %get3A_2, %eq3A : i32
    %jit3A = arith.constant 1 : i32
    %select_n3A = arith.select %eq3A_3, %arg1, %jit3A : i32
    %c0_i32 = arith.constant 0 : i32
    %c0_i32_4 = arith.constant 0 : i32
    return %get3A_0, %select_n3A, %c0_i32 : i32, i32, i32
  }
  func.func @transform_7(%arg0: i32, %arg1: i32, %arg2: memref<24xi32, #tpu.memory_space<smem>>, %arg3: memref<24xi32, #tpu.memory_space<smem>>, %arg4: memref<24xi32, #tpu.memory_space<smem>>) -> (i32, i32, i32) {
    %get3A = arith.index_cast %arg0 : i32 to index
    %get3A_0 = memref.load %arg2[%get3A] : memref<24xi32, #tpu.memory_space<smem>>
    %get3A_1 = arith.index_cast %arg0 : i32 to index
    %get3A_2 = memref.load %arg4[%get3A_1] : memref<24xi32, #tpu.memory_space<smem>>
    %eq3A = arith.constant 1 : i32
    %eq3A_3 = arith.cmpi eq, %get3A_2, %eq3A : i32
    %jit3A = arith.constant 1 : i32
    %select_n3A = arith.select %eq3A_3, %arg1, %jit3A : i32
    %c0_i32 = arith.constant 0 : i32
    %c0_i32_4 = arith.constant 0 : i32
    return %get3A_0, %select_n3A, %c0_i32 : i32, i32, i32
  }
  func.func @transform_8(%arg0: i32, %arg1: i32, %arg2: memref<24xi32, #tpu.memory_space<smem>>, %arg3: memref<24xi32, #tpu.memory_space<smem>>, %arg4: memref<24xi32, #tpu.memory_space<smem>>) -> (i32, i32, i32) {
    %get3A = arith.index_cast %arg0 : i32 to index
    %get3A_0 = memref.load %arg2[%get3A] : memref<24xi32, #tpu.memory_space<smem>>
    %get3A_1 = arith.index_cast %arg0 : i32 to index
    %get3A_2 = memref.load %arg4[%get3A_1] : memref<24xi32, #tpu.memory_space<smem>>
    %eq3A = arith.constant 1 : i32
    %eq3A_3 = arith.cmpi eq, %get3A_2, %eq3A : i32
    %jit3A = arith.constant 1 : i32
    %select_n3A = arith.select %eq3A_3, %arg1, %jit3A : i32
    %c0_i32 = arith.constant 0 : i32
    %c0_i32_4 = arith.constant 0 : i32
    return %get3A_0, %c0_i32, %select_n3A : i32, i32, i32
  }
  func.func @transform_9(%arg0: i32, %arg1: i32, %arg2: memref<24xi32, #tpu.memory_space<smem>>, %arg3: memref<24xi32, #tpu.memory_space<smem>>, %arg4: memref<24xi32, #tpu.memory_space<smem>>) -> (i32, i32, i32) {
    %get3A = arith.index_cast %arg0 : i32 to index
    %get3A_0 = memref.load %arg2[%get3A] : memref<24xi32, #tpu.memory_space<smem>>
    %get3A_1 = arith.index_cast %arg0 : i32 to index
    %get3A_2 = memref.load %arg4[%get3A_1] : memref<24xi32, #tpu.memory_space<smem>>
    %eq3A = arith.constant 1 : i32
    %eq3A_3 = arith.cmpi eq, %get3A_2, %eq3A : i32
    %jit3A = arith.constant 1 : i32
    %select_n3A = arith.select %eq3A_3, %arg1, %jit3A : i32
    %c0_i32 = arith.constant 0 : i32
    %c0_i32_4 = arith.constant 0 : i32
    return %get3A_0, %c0_i32, %select_n3A : i32, i32, i32
  }
  func.func @transform_10(%arg0: i32, %arg1: i32, %arg2: memref<24xi32, #tpu.memory_space<smem>>, %arg3: memref<24xi32, #tpu.memory_space<smem>>, %arg4: memref<24xi32, #tpu.memory_space<smem>>) -> (i32, i32, i32) {
    %get3A = arith.index_cast %arg0 : i32 to index
    %get3A_0 = memref.load %arg2[%get3A] : memref<24xi32, #tpu.memory_space<smem>>
    %get3A_1 = arith.index_cast %arg0 : i32 to index
    %get3A_2 = memref.load %arg4[%get3A_1] : memref<24xi32, #tpu.memory_space<smem>>
    %eq3A = arith.constant 1 : i32
    %eq3A_3 = arith.cmpi eq, %get3A_2, %eq3A : i32
    %jit3A = arith.constant 1 : i32
    %select_n3A = arith.select %eq3A_3, %arg1, %jit3A : i32
    %c0_i32 = arith.constant 0 : i32
    %c0_i32_4 = arith.constant 0 : i32
    return %get3A_0, %c0_i32, %select_n3A : i32, i32, i32
  }
  func.func @transform_11(%arg0: i32, %arg1: i32, %arg2: memref<24xi32, #tpu.memory_space<smem>>, %arg3: memref<24xi32, #tpu.memory_space<smem>>, %arg4: memref<24xi32, #tpu.memory_space<smem>>) -> (i32, i32, i32) {
    %get3A = arith.index_cast %arg0 : i32 to index
    %get3A_0 = memref.load %arg2[%get3A] : memref<24xi32, #tpu.memory_space<smem>>
    %get3A_1 = arith.index_cast %arg0 : i32 to index
    %get3A_2 = memref.load %arg4[%get3A_1] : memref<24xi32, #tpu.memory_space<smem>>
    %eq3A = arith.constant 1 : i32
    %eq3A_3 = arith.cmpi eq, %get3A_2, %eq3A : i32
    %jit3A = arith.constant 1 : i32
    %select_n3A = arith.select %eq3A_3, %arg1, %jit3A : i32
    %c0_i32 = arith.constant 0 : i32
    %c0_i32_4 = arith.constant 0 : i32
    return %get3A_0, %c0_i32, %select_n3A : i32, i32, i32
  }
  func.func @transform_12(%arg0: i32, %arg1: i32, %arg2: memref<24xi32, #tpu.memory_space<smem>>, %arg3: memref<24xi32, #tpu.memory_space<smem>>, %arg4: memref<24xi32, #tpu.memory_space<smem>>) -> (i32, i32, i32) {
    %get3A = arith.index_cast %arg0 : i32 to index
    %get3A_0 = memref.load %arg2[%get3A] : memref<24xi32, #tpu.memory_space<smem>>
    %get3A_1 = arith.index_cast %arg0 : i32 to index
    %get3A_2 = memref.load %arg4[%get3A_1] : memref<24xi32, #tpu.memory_space<smem>>
    %eq3A = arith.constant 1 : i32
    %eq3A_3 = arith.cmpi eq, %get3A_2, %eq3A : i32
    %jit3A = arith.constant 1 : i32
    %select_n3A = arith.select %eq3A_3, %arg1, %jit3A : i32
    %c0_i32 = arith.constant 0 : i32
    %c0_i32_4 = arith.constant 0 : i32
    return %get3A_0, %c0_i32, %select_n3A : i32, i32, i32
  }
  func.func @transform_13(%arg0: i32, %arg1: i32, %arg2: memref<24xi32, #tpu.memory_space<smem>>, %arg3: memref<24xi32, #tpu.memory_space<smem>>, %arg4: memref<24xi32, #tpu.memory_space<smem>>) -> (i32, i32, i32) {
    %get3A = arith.index_cast %arg0 : i32 to index
    %get3A_0 = memref.load %arg2[%get3A] : memref<24xi32, #tpu.memory_space<smem>>
    %get3A_1 = arith.index_cast %arg0 : i32 to index
    %get3A_2 = memref.load %arg4[%get3A_1] : memref<24xi32, #tpu.memory_space<smem>>
    %eq3A = arith.constant 1 : i32
    %eq3A_3 = arith.cmpi eq, %get3A_2, %eq3A : i32
    %jit3A = arith.constant 1 : i32
    %select_n3A = arith.select %eq3A_3, %arg1, %jit3A : i32
    %c0_i32 = arith.constant 0 : i32
    %c0_i32_4 = arith.constant 0 : i32
    return %get3A_0, %c0_i32, %select_n3A : i32, i32, i32
  }
  func.func @transform_14(%arg0: i32, %arg1: i32, %arg2: memref<24xi32, #tpu.memory_space<smem>>, %arg3: memref<24xi32, #tpu.memory_space<smem>>, %arg4: memref<24xi32, #tpu.memory_space<smem>>) -> (i32, i32, i32) {
    %get3A = arith.index_cast %arg0 : i32 to index
    %get3A_0 = memref.load %arg2[%get3A] : memref<24xi32, #tpu.memory_space<smem>>
    %c0_i32 = arith.constant 0 : i32
    %c0_i32_1 = arith.constant 0 : i32
    %c0_i32_2 = arith.constant 0 : i32
    return %get3A_0, %c0_i32, %c0_i32_1 : i32, i32, i32
  }
  func.func @transform_15(%arg0: i32, %arg1: i32, %arg2: memref<24xi32, #tpu.memory_space<smem>>, %arg3: memref<24xi32, #tpu.memory_space<smem>>, %arg4: memref<24xi32, #tpu.memory_space<smem>>) -> (i32, i32, i32) {
    %get3A = arith.index_cast %arg0 : i32 to index
    %get3A_0 = memref.load %arg2[%get3A] : memref<24xi32, #tpu.memory_space<smem>>
    %c0_i32 = arith.constant 0 : i32
    %c0_i32_1 = arith.constant 0 : i32
    %c0_i32_2 = arith.constant 0 : i32
    return %get3A_0, %c0_i32, %c0_i32_1 : i32, i32, i32
  }
  func.func @transform_16(%arg0: i32, %arg1: i32, %arg2: memref<24xi32, #tpu.memory_space<smem>>, %arg3: memref<24xi32, #tpu.memory_space<smem>>, %arg4: memref<24xi32, #tpu.memory_space<smem>>) -> (i32, i32) {
    %c0_i32 = arith.constant 0 : i32
    %c0_i32_0 = arith.constant 0 : i32
    %c0_i32_1 = arith.constant 0 : i32
    return %c0_i32, %c0_i32_0 : i32, i32
  }
  func.func @transform_17(%arg0: i32, %arg1: i32, %arg2: memref<24xi32, #tpu.memory_space<smem>>, %arg3: memref<24xi32, #tpu.memory_space<smem>>, %arg4: memref<24xi32, #tpu.memory_space<smem>>) -> (i32, i32) {
    %c0_i32 = arith.constant 0 : i32
    %c0_i32_0 = arith.constant 0 : i32
    %c0_i32_1 = arith.constant 0 : i32
    return %c0_i32, %c0_i32_0 : i32, i32
  }
}

</mosaic_0001>

<sc_bundles>
// kernel: gather_offload_async_start.1
scs
__scs_entry_jumppad:
0x0: {  	(pc) =	sbr.rel $0x88, $3  }
0x1: {  	(tag) =	ssettag $0x0;
	lr =	simm.s32 $0x1  }
0x2: {  	[smem:$0x3F91] =	sst lr;
	_ =	strace $0xD0000000  }
0x3: {  	_ = 	snop  }
0x4: {  	_ = 	snop  }
0x5: {  	_ = 	snop  }
0x6: {  	_ = 	snop  }
0x7: {  	_ = 	snop  }
__scs_overlays_trampoline_lowered:
0x8: {  	[smem:$0x3FA0] =	sst s0  }
0x9: {  	[smem:$0x3FA1] =	sst s1  }
0xa: {  	[smem:$0x3FA2] =	sst s2  }
0xb: {  	[smem:$0x3FA3] =	sst s3  }
0xc: {  	[smem:$0x3FA4] =	sst s4  }
0xd: {  	[smem:$0x3FA5] =	sst s5  }
0xe: {  	[smem:$0x3FA6] =	sst s6  }
0xf: {  	[smem:$0x3FA7] =	sst s7  }
0x10: {  	[smem:$0x3FA8] =	sst s8  }
0x11: {  	[smem:$0x3FA9] =	sst s9;
	s0 =	simm.s32 @!p0 $0x0  }
0x12: {  	s1 =	sld [smem:$0x3F8F];
	s0 =	simm.s32 @p0 $0x1  }
0x13: {  	[smem:$0x3FAA] =	sst s0;
	s0 =	simm.s32 @!p1 $0x0  }
0x14: {  	s2 =	sld [smem:$0x3F8E];
	s0 =	simm.s32 @p1 $0x1  }
0x15: {  	[smem:$0x3FAB] =	sst s0;
	s0 =	simm.s32 @!p2 $0x0  }
0x16: {  	s3 =	sld [smem:$0x3FDB];
	s0 =	simm.s32 @p2 $0x1  }
0x17: {  	s4 =	simm.s32 $0x1BF5;
	[smem:$0x3FAD] =	sst s0  }
0x18: {  	s0 =	sld [smem:$0x3F90];
	_ =	swait.ge [sflag:s4], $0x0  }
0x19: {  	s7 =	sld [smem:$0x3F91]  }
0x1a: {  	s8 =	sadd.s32 $0xFFFFE003, lr  }
0x1b: {  	s9 =	sadd.s32 $0xFFFFFEF7, lr;
	s5 =	simm.s32 $0xFFFFFFFF;
	p2 =	slt.u32 s8, $0xFFFFF086  }
0x1c: {  	p1 =	slt.u32 s9, $0xF7A;
	s5 =	simm.s32 @!p2 $0x0  }
0x1d: {  	s5 =	simm.s32 @p1 $0x1;
	p0 =	seq.s32 s7, s2  }
0x1e: {  	s7 =	smul.u32 @!p0 $0xF7A, s2;
	p2 =	seq.s32 @!p0 s5, $0x0  }
0x1f: {  	s9 =	smul.u32 $0xF7A, s1;
	s8 =	simm.s32 @!p0 $0x1BF5;
	p2 =	por !p2, p0  }
0x20: {  	[sflag:s8] =	ssyncset.s32 @!p0 $0xFFFFF086;
	s6 =	sadd.s32 @!p0 s3, s7;
	s7 =	simm.s32 @!p0 $0x108  }
0x21: {  	s3 =	sadd.s32 s3, s9;
	s6 =	sadd.s32 @!p0 $0x88, s6;
	s7 =	simm.s32 @p2 $0x1082  }
0x22: {  	[simem:s7], [sflag:s8] =	dma.local @!p0 [hbm:s6], $0xF7A  }
0x23: {  	s9 =	sor.u32 $0xD0000000, s2;
	s6 =	simm.s32 $0x108;
	_ =	swait.ge @!p0 [sflag:s8], $0x0  }
0x24: {  	s3 =	sadd.s32 $0x88, s3;
	s6 =	simm.s32 @!p1 $0x1082;
	[sflag:s4] =	ssyncset.s32 $0xFFFFF086  }
0x25: {  	[simem:s6], [sflag:s4] =	dma.local [hbm:s3], $0xF7A  }
0x26: {  	[smem:$0x3F91] =	sst s1;
	(tag) =	ssettag s2;
	_ =	strace s9  }
0x27: {  	s1 =	sld [smem:$0x3FA1]  }
0x28: {  	s2 =	sld [smem:$0x3FA2]  }
0x29: {  	s4 =	sld [smem:$0x3FA4]  }
0x2a: {  	p0 =	seq.s32 s5, $0x0;
	s5 =	sld [smem:$0x3FA5]  }
0x2b: {  	s6 =	sld [smem:$0x3FA6]  }
0x2c: {  	s7 =	sld [smem:$0x3FA7]  }
0x2d: {  	s3 =	simm.s32 $0x108;
	s8 =	sld [smem:$0x3FA8]  }
0x2e: {  	s3 =	simm.s32 @!p0 $0x1082;
	s9 =	sld [smem:$0x3FA9]  }
0x2f: {  	lr =	sadd.s32 s0, s3;
	s0 =	sld [smem:$0x3FA0]  }
0x30: {  	s3 =	sld [smem:$0x3FA3]  }
0x31: {  	[smem:$0x3FAC] =	sst s10  }
0x32: {  	s10 =	sld [smem:$0x3FAA];
	_ =	sdelay $0x3  }
0x33: {  	p0 =	seq.s32 s10, $0x1;
	s10 =	sld [smem:$0x3FAC];
	_ =	sdelay $0x3  }
0x34: {  	[smem:$0x3FAC] =	sst s10  }
0x35: {  	s10 =	sld [smem:$0x3FAB];
	_ =	sdelay $0x3  }
0x36: {  	p1 =	seq.s32 s10, $0x1;
	s10 =	sld [smem:$0x3FAC];
	_ =	sdelay $0x3  }
0x37: {  	[smem:$0x3FAC] =	sst s10  }
0x38: {  	s10 =	sld [smem:$0x3FAD]  }
0x39: {  	_ = 	snop;
	(pc) =	sbr.ind lr, $3  }
0x3a: {  	_ = 	snop  }
0x3b: {  	_ = 	snop  }
0x3c: {  	p2 =	seq.s32 s10, $0x1;
	s10 =	sld [smem:$0x3FAC]  }
0x3d: {  	_ =	shalt  }
0x3e: {  	_ =	shalt  }
0x3f: {  	_ =	shalt  }
0x40: {  	_ =	shalt  }
0x41: {  	_ =	shalt  }
0x42: {  	_ =	shalt  }
0x43: {  	_ =	shalt  }
0x44: {  	_ =	shalt  }
0x45: {  	_ =	shalt  }
0x46: {  	_ =	shalt  }
0x47: {  	_ =	shalt  }
0x48: {  	_ =	shalt  }
0x49: {  	_ =	shalt  }
0x4a: {  	_ =	shalt  }
0x4b: {  	_ =	shalt  }
0x4c: {  	_ =	shalt  }
0x4d: {  	_ =	shalt  }
0x4e: {  	_ =	shalt  }
0x4f: {  	_ =	shalt  }
0x50: {  	_ =	shalt  }
0x51: {  	_ =	shalt  }
0x52: {  	_ =	shalt  }
0x53: {  	_ =	shalt  }
0x54: {  	_ =	shalt  }
0x55: {  	_ =	shalt  }
0x56: {  	_ =	shalt  }
0x57: {  	_ =	shalt  }
0x58: {  	_ =	shalt  }
0x59: {  	_ =	shalt  }
0x5a: {  	_ =	shalt  }
0x5b: {  	_ =	shalt  }
0x5c: {  	_ =	shalt  }
0x5d: {  	_ =	shalt  }
0x5e: {  	_ =	shalt  }
0x5f: {  	_ =	shalt  }
0x60: {  	_ =	shalt  }
0x61: {  	_ =	shalt  }
0x62: {  	_ =	shalt  }
0x63: {  	_ =	shalt  }
0x64: {  	_ =	shalt  }
0x65: {  	_ =	shalt  }
0x66: {  	_ =	shalt  }
0x67: {  	_ =	shalt  }
0x68: {  	_ =	shalt  }
0x69: {  	_ =	shalt  }
0x6a: {  	_ =	shalt  }
0x6b: {  	_ =	shalt  }
0x6c: {  	_ =	shalt  }
0x6d: {  	_ =	shalt  }
0x6e: {  	_ =	shalt  }
0x6f: {  	_ =	shalt  }
0x70: {  	_ =	shalt  }
0x71: {  	_ =	shalt  }
0x72: {  	_ =	shalt  }
0x73: {  	_ =	shalt  }
0x74: {  	_ =	shalt  }
0x75: {  	_ =	shalt  }
0x76: {  	_ =	shalt  }
0x77: {  	_ =	shalt  }
0x78: {  	_ =	shalt  }
0x79: {  	_ =	shalt  }
0x7a: {  	_ =	shalt  }
0x7b: {  	_ =	shalt  }
0x7c: {  	_ =	shalt  }
0x7d: {  	_ =	shalt  }
0x7e: {  	_ =	shalt  }
0x7f: {  	_ =	shalt  }
0x80: {  	_ =	shalt  }
0x81: {  	_ =	shalt  }
0x82: {  	_ =	shalt  }
0x83: {  	_ =	shalt  }
0x84: {  	_ =	shalt  }
0x85: {  	_ =	shalt  }
0x86: {  	_ =	shalt  }
0x87: {  	_ =	shalt  }
.Lfunc_end0:
.L_simem_size_0:
called_computation.1_lowered:
.L_overlay_start_0:
0x88: {  	s2 =	sld [smem:$0x3FD9]  }
0x89: {  	s3 =	sld [smem:$0x3FFE];
	_ =	sdelay $0x1  }
0x8a: {  	s1 =	srdreg.scid  }
0x8b: {  	s0 =	sand.u32 $0x1, s1  }
0x8c: {  	s14 =	sshll.u32 s0, $0xA;
	s2 =	sadd.s32 s3, s2  }
0x8d: {  	s2 =	sadd.s32 s2, s14  }
0x8e: {  	[smem:$0x3FB8] =	sst s2  }
0x8f: {  	_ = 	snop  }
0x90: {  	s2 =	sld [smem:$0x3FD0];
	_ =	sdelay $0x2  }
0x91: {  	s15 =	simm.s32 $0xB;
	s4 =	simm.s32 $0x10  }
0x92: {  	[smem:s4], [sflag:s15] =	dma.local [hbm:s2], $0x1  }
0x93: {  	_ =	swait.eq [sflag:s15], $0x1  }
0x94: {  	[sflag:s15] =	ssyncset.done $0x0  }
0x95: {  	[sflag:s15] =	ssyncadd.s32 $0xFFFFFFFF  }
0x96: {  	s16 =	sld [smem:$0x10];
	(tm) =	ssettm $0x1  }
0x97: {  	s17 =	sld [smem:$0x3FFB];
	_ =	sdelay $0x3  }
0x98: {  	_ =	strace s17  }
0x99: {  	s3 =	sld [smem:$0x3FFC];
	_ =	sdelay $0x3  }
0x9a: {  	_ =	strace s3  }
0x9b: {  	s3 =	sld [smem:$0x3FFD];
	_ =	sdelay $0x3  }
0x9c: {  	_ =	strace s3  }
0x9d: {  	_ =	strace $0x8FFFFFFF  }
0x9e: {  	s18 =	sld [smem:$0x3FDB];
	_ =	sdelay $0x1  }
0x9f: {  	s19 =	simm.s32 $_scs_section_size  }
0xa0: {  	s5 =	simm.s32 $_size__tile_overlayer_lowered;
	s6 =	simm.s32 $_tile_overlayer_lowered  }
0xa1: {  	s22 =	simm.s32 $0x1BFF;
	s21 =	sshll.u32 s6, $0x1;
	s3 =	sadd.s32 s19, s18  }
0xa2: {  	s7 =	simm.s32 $0x0;
	s20 =	sshll.u32 s5, $0x1;
	s5 =	sadd.s32 s21, s3  }
0xa3: {  	[timem:s7], [sflag:s22] =	dma.local [hbm:s5], s20  }
0xa4: {  	_ =	swait.ge [sflag:s22], s20  }
0xa5: {  	s4 =	ssub.s32 $0x0, s20;
	[sflag:s22] =	ssyncset.done $0x0  }
0xa6: {  	[sflag:s22] =	ssyncadd.s32 s4;
	_ =	sdelay $0x1  }
0xa7: {  	s23 =	simm.s32 $0x1B8B  }
0xa8: {  	_ =	swait.ge [sflag:s23], $0x1  }
0xa9: {  	[sflag:s23] =	ssyncset.done $0x0  }
0xaa: {  	s25 =	simm.s32 $0x1B8E;
	s24 =	sld [smem:$0x3FFE];
	[sflag:s23] =	ssyncadd.s32 $0xFFFFFFFF  }
0xab: {  	s26 =	simm.s32 $execute0_lowered;
	[smem:$0x3FD2] =	sst s25  }
0xac: {  	s5 =	sshll.u32 s26, $0x1;
	_ =	strace $0x80000049;
	[dreg:$0x1] =	wrdreg $0xFFFFFFFF  }
0xad: {  	s28 =	simm.s32 $_size_execute0_lowered;
	s3 =	sadd.s32 s3, s5;
	[dreg:$0x0] =	wrdreg $0x0  }
0xae: {  	s5 =	sshll.u32 s28, $0x1;
	[dreg:$0x2] =	wrdreg s3  }
0xaf: {  	[dreg:$0x3] =	wrdreg s5  }
0xb0: {  	[dreg:$0x4] =	wrdreg $0xC0  }
0xb1: {  	_ =	task [dreg:s7], $0x5FFFF  }
0xb2: {  	[dreg:$0x1] =	wrdreg $0xFFFFFFFF  }
0xb3: {  	[dreg:$0x0] =	wrdreg $0x60  }
0xb4: {  	[dreg:$0x2] =	wrdreg s24  }
0xb5: {  	[dreg:$0x3] =	wrdreg s16  }
0xb6: {  	[dreg:$0x4] =	wrdreg $0x9  }
0xb7: {  	_ =	task.clear_ibuf [dreg:s7], $0x5FFFF;
	_ =	strace $0x90000049  }
0xb8: {  	s29 =	simm.s32 $0x9;
	_ =	strace $0x8000004B  }
0xb9: {  	_ =	swait.ge [sflag:s29], $0x1  }
0xba: {  	[sflag:s29] =	ssyncadd.s32 $0xFFFFFFFF  }
0xbb: {  	_ =	strace $0x9000004B  }
0xbc: {  	_ =	sfence  }
0xbd: {  	s30 =	sld [smem:$0x0];
	_ =	sdelay $0x2  }
0xbe: {  	s31 =	sshll.u32 s1, $0xD;
	s1 =	sshrl.u32 s1, $0x2  }
0xbf: {  	s3 =	sand.u32 $0x4000, s31;
	s1 =	sadd.s32 s1, s30  }
0xc0: {  	s0 =	sor.u32 s3, s0;
	s1 =	sshll.u32 s1, $0x11  }
0xc1: {  	s0 =	sor.u32 s1, s0  }
0xc2: {  	s0 =	sadd.s32 $0x8F2B, s0  }
0xc3: {  	[sflag:s0] =	ssyncadd.remote.s32 $0x1  }
0xc4: {  	_ =	sfence.sel $0xFFFF  }
0xc5: {  	[dreg:$0x0] =	wrdreg $0xFFFFFFFF;
	(pc) =	sbr.abs _section_cstart, $3  }
0xc6: {  	[dreg:$0x1] =	wrdreg $0xFFFFFFFF  }
0xc7: {  	_ =	task.clear_ibuf [dreg:s7], $0x2FFFF;
	_ =	strace $0x9FFFFFFF  }
0xc8: {  	(tm) =	ssettm $0x7FFFFFFF  }
0xc9: {  	_ =	shalt  }
tec
execute0_lowered:
.L_overlay_start_1:
0x0: {  	(tag) =	ssettag $0x1  }
0x1: {  	s1 =	srdreg.scid;
	s5 =	rddreg [dreg:$0x0]  }
0x2: {  	s0 =	stileid.u32;
	s2 =	rddreg [dreg:$0x1];
	s6 =	simm.s32 $0x1  }
0x3: {  	s9 =	simm.s32 $0x1;
	s10 =	simm.s32 $0x3;
	s1 =	sshll.u32 s1, $0x6  }
0x4: {  	s13 =	simm.s32 $0x0;
	s3 =	sshll.u32 s0, $0x7;
	s4 =	sand.u32 $0x40, s1  }
0x5: {  	s12 =	simm.s32 $0x0;
	s1 =	rddreg [dreg:$0x2];
	s3 =	sor.u32 s3, s4  }
0x6: {  	_ =	strace $0x8000004A;
	s4 =	sadd.s32 $0x46000, s5;
	s8 =	ssub.s32 $0x1000, s3  }
.Ltmp0:
0x7: {  	s5 =	sadd.s32 $0xE00, s5;
	s7 =	sand.u32 $0x7C0, s8;
	(pc) =	sbr.rel .LBB2_1-.Ltmp0, $4  }
0x8: {  	[sflag:s6] =	ssyncpa.u1 $0x0;
	s11 =	smov.u32 s3;
	p0 =	sne.s32 s7, $0x0  }
0x9: {  	s8 =	sshrl.u32 s8, $0xB;
	s7 =	simm.s32 $0x2;
	s9 =	simm.s32 @!p0 $0x0  }
0xa: {  	[sflag:s7] =	ssyncpa.u1 $0x0;
	p0 =	por $0x0, $0x0;
	s8 =	sadd.s32 s9, s8  }
0xb: {  	vm0 =	vmmov $0xffff;
	[sflag:s10] =	ssyncpa.u1 $0x0;
	s10 =	simm.s32 $0x0;
	s9 =	sadd.s32 $0x1, s8  }
.LBB2_4:
0xc: {  	v2 =	vnsel vm1, $0x0, v2  }
0xd: {  	vm1 =	vgt.s32 v0, $0x0;
	v2 =	vmin.u32 v2, $0xFFF  }
0xe: {  	v0 =	vnsel vm1, $0x0, v0  }
0xf: {  	v0 =	vmin.u32 v0, $0xFFF  }
0x10: {  	[tilespmem:s15], [sflag:$0x1] =	stream.indirect_vreg.gather [hbm4b:s4+s10], $0x1, v1, vm0, $0x4038;
	[tilespmem:$0x100] =	vst v63  }
0x11: {  	(ifvalue) =	ssetifvalue $0x7FFFFFFF  }
0x12: {  	[tilespmem:s16], [sflag:$0x1] =	stream.indirect_vreg.gather [hbm4b:s4+s10], $0x1, v2, vm0, $0x4038;
	[tilespmem:$0x100] =	vst v63  }
0x13: {  	s29 =	sadd.s32 $0x10, s16;
	(ifvalue) =	ssetifvalue $0x7FFFFFFF  }
0x14: {  	[tilespmem:s29], [sflag:$0x1] =	stream.indirect_vreg.gather [hbm4b:s4+s10], $0x1, v0, vm0, $0x4038;
	[tilespmem:$0x100] =	vst v63  }
0x15: {  	_ =	swait.ge [sflag:s6], $0x40  }
0x16: {  	s30 =	sshrl.u32 s13, $0x3;
	[sflag:s6] =	ssyncset.done $0x0  }
0x17: {  	s31 =	sand.u32 $0x7, s13;
	s15 =	sadd.s32 s5, s30;
	[sflag:s6] =	ssyncadd.s32 $0xFFFFFFC0  }
0x18: {  	[hbm4b:s15+s31] =	stream.linear.scatter [tilespmem:s14], [sflag:$0x3], $0x40, $0x38;
	[tilespmem:$0x100] =	vst v63  }
.LBB2_5:
0x19: {  	s15 =	sadd.s32 $0x800, s11  }
0x1a: {  	p2 =	sgt.s32 s15, $0xFFF  }
0x1b: {  	s15 =	smov.u32 @p2 s3;
	p2 =	sne.s32 s12, s9  }
.Ltmp1:
0x1c: {  	p1 =	slt.u32 s12, $0x2;
	(pc) =	sbr.rel @!p2 .LBB2_6-.Ltmp1, $4  }
0x1d: {  	s14 =	simm.s32 @!p1 $0x3  }
0x1e: {  	s16 =	sadd.s32 $0x1, s12;
	_ =	swait.ge @!p1 [sflag:s14], $0x40  }
0x1f: {  	s13 =	smov.u32 s11;
	p0 =	por !p0, !p0;
	[sflag:s14] =	ssyncset.done @!p1 $0x0  }
0x20: {  	s12 =	smov.u32 s16;
	s11 =	smov.u32 s15;
	[sflag:s14] =	ssyncadd.s32 @!p1 $0xFFFFFFC0  }
.LBB2_1:
0x21: {  	p1 =	sge.u32 s12, s8  }
0x22: {  	s14 =	sxor.u32 @!p1 $0xFFFFFFFF, s12  }
0x23: {  	s31 =	sadd.s32 $0xFFFFFFFF, s12;
	s15 =	sshrl.u32 @!p1 s11, $0x3;
	s14 =	sshll.u32 @!p1 s14, $0x6  }
0x24: {  	s16 =	sand.u32 @!p1 $0x7, s11;
	s15 =	sadd.s32 @!p1 s2, s15;
	s14 =	sand.u32 @!p1 $0x40, s14  }
0x25: {  	[tilespmem:s14], [sflag:$0x2] =	stream.linear.gather @!p1 [hbm4b:s15+s16], $0x40, $0x38;
	[tilespmem:$0x100] =	vst v63  }
0x26: {  	p1 =	sge.u32 s31, s8  }
.Ltmp2:
0x27: {  	_ = 	snop;
	(pc) =	sbr.rel @p1 .LBB2_5-.Ltmp2, $1  }
0x28: {  	_ =	sdelay $0x3  }
0x29: {  	s14 =	simm.s32 $0x1  }
0x2a: {  	_ =	swait.ge [sflag:s7], $0x40;
	s14 =	simm.s32 @!p0 $0x0  }
0x2b: {  	[sflag:s7] =	ssyncset.done $0x0;
	s14 =	sshll.u32 s14, $0x6  }
0x2c: {  	[sflag:s7] =	ssyncadd.s32 $0xFFFFFFC0;
	(ifvalue) =	ssetifvalue $0x7FFFFFFF;
	v0 =	vld.msk [tilespmem:s14+$0x0 ss:$0x1], $0xffff;
	_ =	sdelay $0x4  }
0x2d: {  	s15 =	sadd.s32 $0x10, s14;
	vm1 =	vgt.s32 v0, $0x0  }
0x2e: {  	v2 =	vld.msk [tilespmem:s15+$0x0 ss:$0x1], $0xffff;
	v1 =	vnsel vm1, $0x0, v0  }
0x2f: {  	v1 =	vmin.u32 v1, $0xFFF;
	_ =	sdelay $0x1  }
0x30: {  	s16 =	sshll.u32 s12, $0x6;
	s18 =	simm.s32 $0x20  }
0x31: {  	s16 =	sand.u32 $0x40, s16;
	s17 =	sadd.s32 $0x10, s15;
	s15 =	sor.u32 $0x80, s14  }
0x32: {  	s14 =	sor.u32 $0x80, s16;
	s16 =	sadd.s32 $0x10, s15;
	v0 =	vld.msk [tilespmem:s17+$0x0 ss:$0x1], $0xffff;
	vm1 =	vgt.s32 v2, $0x0;
	(ifvalue) =	ssetifvalue $0x7FFFFFFF  }
.LBB2_3:
0x33: {  	[tilespmem:s15], [sflag:$0x1] =	stream.indirect_vreg.gather [hbm4b:s4+s10], $0x1, v1, vm0, $0x4038;
	[tilespmem:$0x100] =	vst v63  }
0x34: {  	s18 =	sadd.s32 $0x10, s18  }
0x35: {  	v2 =	vnsel vm1, $0x0, v2;
	p1 =	slt.u32 s18, $0x30  }
.Ltmp3:
0x36: {  	s15 =	smov.u32 s16;
	v1 =	vmin.u32 v2, $0xFFF;
	(pc) =	sbr.rel @p1 .LBB2_3-.Ltmp3, $3  }
0x37: {  	_ =	sdelay $0x1  }
0x38: {  	s17 =	sadd.s32 $0x10, s17  }
0x39: {  	vm1 =	vgt.s32 v0, $0x0;
	s16 =	sadd.s32 $0x10, s16;
	v2 =	vmov v0;
	(ifvalue) =	ssetifvalue $0x7FFFFFFF;
	v0 =	vld.msk [tilespmem:s17+$0x0 ss:$0x1], $0xffff  }
.Ltmp4:
0x3a: {  	_ = 	snop;
	(pc) =	sbr.rel .LBB2_4-.Ltmp4, $1  }
0x3b: {  	_ =	sdelay $0x3  }
.LBB2_6:
0x3c: {  	_ =	sfence.sel $0x180000  }
0x3d: {  	s2 =	simm.s32 $0x2;
	[bflag:$0x0] =	sbarrier.arrive $0xFFFF  }
0x3e: {  	s30 =	simm.s32 $0x3;
	[sflag:s2] =	ssyncpa.u1 $0x1  }
0x3f: {  	s31 =	simm.s32 $0x1;
	[sflag:s30] =	ssyncpa.u1 $0x1  }
0x40: {  	[sflag:s31] =	ssyncpa.u1 $0x1  }
0x41: {  	p0 =	sne.s32 s0, $0x0;
	_ =	strace $0x9000004A  }
0x42: {  	s0 =	sadd.s32 @!p0 $0x100000, s1;
	[bflag:$0x2] =	sbarrier.arrive $0xFFFF  }
0x43: {  	[sflag:s0] =	ssyncadd.tile.s32 @!p0 $0x1;
	_ =	shalt  }
.Lfunc_end2:
_tile_overlayer_lowered:
.L_overlay_start_2:
0x44: {  	(tag) =	ssettag $0x2  }
0x45: {  	s0 =	rddreg [dreg:$0x0];
	s2 =	stileid.u32  }
0x46: {  	s1 =	rddreg [dreg:$0x1];
	p0 =	sne.s32 s2, $0x0  }
0x47: {  	s3 =	rddreg [dreg:$0x2];
	[bflag:$0x3] =	sbarrier.arrive $0xFFFF;
	s2 =	simm.s32 @!p0 $0x1C01  }
0x48: {  	[timem:s3], [sflag:s2] =	dma.local @!p0 [hbm:s0], s1  }
0x49: {  	s0 =	simm.s32 @!p0 $0x1  }
0x4a: {  	_ =	swait.ge @!p0 [sflag:s0], s1  }
0x4b: {  	s1 =	ssub.s32 @!p0 $0x0, s1;
	[sflag:s0] =	ssyncset.done @!p0 $0x0  }
0x4c: {  	[sflag:s0] =	ssyncadd.s32 @!p0 s1  }
0x4d: {  	[bflag:$0x3] =	sbarrier.arrive $0xFFFF  }
0x4e: {  	_ =	shalt  }

// kernel: gather_offload_async_start.2
scs
__scs_entry_jumppad:
0x0: {  	(pc) =	sbr.rel $0x88, $3  }
0x1: {  	(tag) =	ssettag $0x0;
	lr =	simm.s32 $0x1  }
0x2: {  	[smem:$0x3F91] =	sst lr;
	_ =	strace $0xD0000000  }
0x3: {  	_ = 	snop  }
0x4: {  	_ = 	snop  }
0x5: {  	_ = 	snop  }
0x6: {  	_ = 	snop  }
0x7: {  	_ = 	snop  }
__scs_overlays_trampoline_lowered:
0x8: {  	[smem:$0x3FA0] =	sst s0  }
0x9: {  	[smem:$0x3FA1] =	sst s1  }
0xa: {  	[smem:$0x3FA2] =	sst s2  }
0xb: {  	[smem:$0x3FA3] =	sst s3  }
0xc: {  	[smem:$0x3FA4] =	sst s4  }
0xd: {  	[smem:$0x3FA5] =	sst s5  }
0xe: {  	[smem:$0x3FA6] =	sst s6  }
0xf: {  	[smem:$0x3FA7] =	sst s7  }
0x10: {  	[smem:$0x3FA8] =	sst s8  }
0x11: {  	[smem:$0x3FA9] =	sst s9;
	s0 =	simm.s32 @!p0 $0x0  }
0x12: {  	s1 =	sld [smem:$0x3F8F];
	s0 =	simm.s32 @p0 $0x1  }
0x13: {  	[smem:$0x3FAA] =	sst s0;
	s0 =	simm.s32 @!p1 $0x0  }
0x14: {  	s2 =	sld [smem:$0x3F8E];
	s0 =	simm.s32 @p1 $0x1  }
0x15: {  	[smem:$0x3FAB] =	sst s0;
	s0 =	simm.s32 @!p2 $0x0  }
0x16: {  	s3 =	sld [smem:$0x3FDB];
	s0 =	simm.s32 @p2 $0x1  }
0x17: {  	s4 =	simm.s32 $0x1BF5;
	[smem:$0x3FAD] =	sst s0  }
0x18: {  	s0 =	sld [smem:$0x3F90];
	_ =	swait.ge [sflag:s4], $0x0  }
0x19: {  	s7 =	sld [smem:$0x3F91]  }
0x1a: {  	s8 =	sadd.s32 $0xFFFFE003, lr  }
0x1b: {  	s9 =	sadd.s32 $0xFFFFFEF7, lr;
	s5 =	simm.s32 $0xFFFFFFFF;
	p2 =	slt.u32 s8, $0xFFFFF086  }
0x1c: {  	p1 =	slt.u32 s9, $0xF7A;
	s5 =	simm.s32 @!p2 $0x0  }
0x1d: {  	s5 =	simm.s32 @p1 $0x1;
	p0 =	seq.s32 s7, s2  }
0x1e: {  	s7 =	smul.u32 @!p0 $0xF7A, s2;
	p2 =	seq.s32 @!p0 s5, $0x0  }
0x1f: {  	s9 =	smul.u32 $0xF7A, s1;
	s8 =	simm.s32 @!p0 $0x1BF5;
	p2 =	por !p2, p0  }
0x20: {  	[sflag:s8] =	ssyncset.s32 @!p0 $0xFFFFF086;
	s6 =	sadd.s32 @!p0 s3, s7;
	s7 =	simm.s32 @!p0 $0x108  }
0x21: {  	s3 =	sadd.s32 s3, s9;
	s6 =	sadd.s32 @!p0 $0x88, s6;
	s7 =	simm.s32 @p2 $0x1082  }
0x22: {  	[simem:s7], [sflag:s8] =	dma.local @!p0 [hbm:s6], $0xF7A  }
0x23: {  	s9 =	sor.u32 $0xD0000000, s2;
	s6 =	simm.s32 $0x108;
	_ =	swait.ge @!p0 [sflag:s8], $0x0  }
0x24: {  	s3 =	sadd.s32 $0x88, s3;
	s6 =	simm.s32 @!p1 $0x1082;
	[sflag:s4] =	ssyncset.s32 $0xFFFFF086  }
0x25: {  	[simem:s6], [sflag:s4] =	dma.local [hbm:s3], $0xF7A  }
0x26: {  	[smem:$0x3F91] =	sst s1;
	(tag) =	ssettag s2;
	_ =	strace s9  }
0x27: {  	s1 =	sld [smem:$0x3FA1]  }
0x28: {  	s2 =	sld [smem:$0x3FA2]  }
0x29: {  	s4 =	sld [smem:$0x3FA4]  }
0x2a: {  	p0 =	seq.s32 s5, $0x0;
	s5 =	sld [smem:$0x3FA5]  }
0x2b: {  	s6 =	sld [smem:$0x3FA6]  }
0x2c: {  	s7 =	sld [smem:$0x3FA7]  }
0x2d: {  	s3 =	simm.s32 $0x108;
	s8 =	sld [smem:$0x3FA8]  }
0x2e: {  	s3 =	simm.s32 @!p0 $0x1082;
	s9 =	sld [smem:$0x3FA9]  }
0x2f: {  	lr =	sadd.s32 s0, s3;
	s0 =	sld [smem:$0x3FA0]  }
0x30: {  	s3 =	sld [smem:$0x3FA3]  }
0x31: {  	[smem:$0x3FAC] =	sst s10  }
0x32: {  	s10 =	sld [smem:$0x3FAA];
	_ =	sdelay $0x3  }
0x33: {  	p0 =	seq.s32 s10, $0x1;
	s10 =	sld [smem:$0x3FAC];
	_ =	sdelay $0x3  }
0x34: {  	[smem:$0x3FAC] =	sst s10  }
0x35: {  	s10 =	sld [smem:$0x3FAB];
	_ =	sdelay $0x3  }
0x36: {  	p1 =	seq.s32 s10, $0x1;
	s10 =	sld [smem:$0x3FAC];
	_ =	sdelay $0x3  }
0x37: {  	[smem:$0x3FAC] =	sst s10  }
0x38: {  	s10 =	sld [smem:$0x3FAD]  }
0x39: {  	_ = 	snop;
	(pc) =	sbr.ind lr, $3  }
0x3a: {  	_ = 	snop  }
0x3b: {  	_ = 	snop  }
0x3c: {  	p2 =	seq.s32 s10, $0x1;
	s10 =	sld [smem:$0x3FAC]  }
0x3d: {  	_ =	shalt  }
0x3e: {  	_ =	shalt  }
0x3f: {  	_ =	shalt  }
0x40: {  	_ =	shalt  }
0x41: {  	_ =	shalt  }
0x42: {  	_ =	shalt  }
0x43: {  	_ =	shalt  }
0x44: {  	_ =	shalt  }
0x45: {  	_ =	shalt  }
0x46: {  	_ =	shalt  }
0x47: {  	_ =	shalt  }
0x48: {  	_ =	shalt  }
0x49: {  	_ =	shalt  }
0x4a: {  	_ =	shalt  }
0x4b: {  	_ =	shalt  }
0x4c: {  	_ =	shalt  }
0x4d: {  	_ =	shalt  }
0x4e: {  	_ =	shalt  }
0x4f: {  	_ =	shalt  }
0x50: {  	_ =	shalt  }
0x51: {  	_ =	shalt  }
0x52: {  	_ =	shalt  }
0x53: {  	_ =	shalt  }
0x54: {  	_ =	shalt  }
0x55: {  	_ =	shalt  }
0x56: {  	_ =	shalt  }
0x57: {  	_ =	shalt  }
0x58: {  	_ =	shalt  }
0x59: {  	_ =	shalt  }
0x5a: {  	_ =	shalt  }
0x5b: {  	_ =	shalt  }
0x5c: {  	_ =	shalt  }
0x5d: {  	_ =	shalt  }
0x5e: {  	_ =	shalt  }
0x5f: {  	_ =	shalt  }
0x60: {  	_ =	shalt  }
0x61: {  	_ =	shalt  }
0x62: {  	_ =	shalt  }
0x63: {  	_ =	shalt  }
0x64: {  	_ =	shalt  }
0x65: {  	_ =	shalt  }
0x66: {  	_ =	shalt  }
0x67: {  	_ =	shalt  }
0x68: {  	_ =	shalt  }
0x69: {  	_ =	shalt  }
0x6a: {  	_ =	shalt  }
0x6b: {  	_ =	shalt  }
0x6c: {  	_ =	shalt  }
0x6d: {  	_ =	shalt  }
0x6e: {  	_ =	shalt  }
0x6f: {  	_ =	shalt  }
0x70: {  	_ =	shalt  }
0x71: {  	_ =	shalt  }
0x72: {  	_ =	shalt  }
0x73: {  	_ =	shalt  }
0x74: {  	_ =	shalt  }
0x75: {  	_ =	shalt  }
0x76: {  	_ =	shalt  }
0x77: {  	_ =	shalt  }
0x78: {  	_ =	shalt  }
0x79: {  	_ =	shalt  }
0x7a: {  	_ =	shalt  }
0x7b: {  	_ =	shalt  }
0x7c: {  	_ =	shalt  }
0x7d: {  	_ =	shalt  }
0x7e: {  	_ =	shalt  }
0x7f: {  	_ =	shalt  }
0x80: {  	_ =	shalt  }
0x81: {  	_ =	shalt  }
0x82: {  	_ =	shalt  }
0x83: {  	_ =	shalt  }
0x84: {  	_ =	shalt  }
0x85: {  	_ =	shalt  }
0x86: {  	_ =	shalt  }
0x87: {  	_ =	shalt  }
.Lfunc_end0:
.L_simem_size_0:
called_computation.2_lowered:
.L_overlay_start_0:
0x88: {  	s2 =	sld [smem:$0x3FD9]  }
0x89: {  	s3 =	sld [smem:$0x3FFE];
	_ =	sdelay $0x1  }
0x8a: {  	s1 =	srdreg.scid  }
0x8b: {  	s0 =	sand.u32 $0x1, s1  }
0x8c: {  	s15 =	sshll.u32 s0, $0xA;
	s2 =	sadd.s32 s3, s2  }
0x8d: {  	s2 =	sadd.s32 s2, s15  }
0x8e: {  	[smem:$0x3FB8] =	sst s2  }
0x8f: {  	_ = 	snop  }
0x90: {  	s2 =	sld [smem:$0x3FD0];
	_ =	sdelay $0x2  }
0x91: {  	s4 =	simm.s32 $0xB;
	s16 =	simm.s32 $0x10  }
0x92: {  	[smem:s16], [sflag:s4] =	dma.local [hbm:s2], $0x1  }
0x93: {  	_ =	swait.eq [sflag:s4], $0x1  }
0x94: {  	[sflag:s4] =	ssyncset.done $0x0  }
0x95: {  	s17 =	sld [smem:$0x10];
	[sflag:s4] =	ssyncadd.s32 $0xFFFFFFFF  }
0x96: {  	s18 =	sld [smem:$0x11];
	(tm) =	ssettm $0x1  }
0x97: {  	s19 =	sld [smem:$0x3FFB];
	_ =	sdelay $0x3  }
0x98: {  	_ =	strace s19  }
0x99: {  	s2 =	sld [smem:$0x3FFC];
	_ =	sdelay $0x3  }
0x9a: {  	_ =	strace s2  }
0x9b: {  	s2 =	sld [smem:$0x3FFD];
	_ =	sdelay $0x3  }
0x9c: {  	_ =	strace s2  }
0x9d: {  	_ =	strace $0x8FFFFFFF  }
0x9e: {  	s20 =	sld [smem:$0x3FDB];
	_ =	sdelay $0x1  }
0x9f: {  	s5 =	simm.s32 $_scs_section_size  }
0xa0: {  	s6 =	simm.s32 $_size__tile_overlayer_lowered;
	s7 =	simm.s32 $_tile_overlayer_lowered  }
0xa1: {  	s8 =	simm.s32 $0x1BFF;
	s21 =	sshll.u32 s7, $0x1;
	s5 =	sadd.s32 s5, s20  }
0xa2: {  	s22 =	simm.s32 $0x0;
	s6 =	sshll.u32 s6, $0x1;
	s7 =	sadd.s32 s21, s5  }
0xa3: {  	[timem:s22], [sflag:s8] =	dma.local [hbm:s7], s6  }
0xa4: {  	_ =	swait.ge [sflag:s8], s6  }
0xa5: {  	s6 =	ssub.s32 $0x0, s6;
	[sflag:s8] =	ssyncset.done $0x0  }
0xa6: {  	[sflag:s8] =	ssyncadd.s32 s6;
	_ =	sdelay $0x1  }
0xa7: {  	s23 =	simm.s32 $0x1B8B  }
0xa8: {  	_ =	swait.ge [sflag:s23], $0x1  }
0xa9: {  	[sflag:s23] =	ssyncset.done $0x0  }
0xaa: {  	[sflag:s23] =	ssyncadd.s32 $0xFFFFFFFF  }
0xab: {  	s6 =	sld [smem:$0x0]  }
0xac: {  	s7 =	sand.u32 $0xFFFFFFFE, s1  }
0xad: {  	p0 =	sne.s32 s1, s7  }
0xae: {  	s7 =	sshll.u32 @p0 s7, $0xE  }
0xaf: {  	s7 =	sadd.s32 @p0 $0x11B8D, s7;
	s8 =	sshll.u32 @p0 s6, $0x11  }
0xb0: {  	s7 =	sor.u32 @p0 s8, s7  }
0xb1: {  	[sflag:s7] =	ssyncadd.remote.s32 @p0 $0x1;
	_ =	sdelay $0x1  }
0xb2: {  	s7 =	simm.s32 @p0 $0x1B8D  }
0xb3: {  	_ =	swait.eq @p0 [sflag:s7], $0x1  }
0xb4: {  	[sflag:s7] =	ssyncadd.s32 @p0 $0xFFFFFFFF  }
0xb5: {  	s8 =	sshll.u32 @!p0 s1, $0xE  }
0xb6: {  	s8 =	sor.u32 @!p0 $0x4000, s8;
	s7 =	simm.s32 @!p0 $0x1B8D  }
0xb7: {  	s6 =	sshll.u32 @!p0 s6, $0x11;
	s8 =	sadd.s32 @!p0 $0x11B8D, s8;
	_ =	swait.eq @!p0 [sflag:s7], $0x1  }
0xb8: {  	s6 =	sor.u32 @!p0 s6, s8;
	[sflag:s7] =	ssyncadd.s32 @!p0 $0xFFFFFFFF  }
0xb9: {  	s25 =	simm.s32 $0x1B8E;
	s24 =	sld [smem:$0x3FFE];
	[sflag:s6] =	ssyncadd.remote.s32 @!p0 $0x1  }
0xba: {  	s26 =	simm.s32 $execute0_lowered;
	[smem:$0x3FD2] =	sst s25  }
0xbb: {  	s7 =	sshll.u32 s26, $0x1;
	_ =	strace $0x8000004C;
	[dreg:$0x1] =	wrdreg $0xFFFFFFFF  }
0xbc: {  	s28 =	simm.s32 $_size_execute0_lowered;
	s5 =	sadd.s32 s5, s7;
	[dreg:$0x0] =	wrdreg $0x0  }
0xbd: {  	s7 =	sshll.u32 s28, $0x1;
	[dreg:$0x2] =	wrdreg s5  }
0xbe: {  	[dreg:$0x3] =	wrdreg s7  }
0xbf: {  	[dreg:$0x4] =	wrdreg $0xC0  }
0xc0: {  	_ =	task [dreg:s22], $0x5FFFF  }
0xc1: {  	[dreg:$0x1] =	wrdreg $0xFFFFFFFF  }
0xc2: {  	[dreg:$0x0] =	wrdreg $0x60  }
0xc3: {  	[dreg:$0x2] =	wrdreg s24  }
0xc4: {  	[dreg:$0x3] =	wrdreg s17  }
0xc5: {  	[dreg:$0x4] =	wrdreg s18  }
0xc6: {  	[dreg:$0x5] =	wrdreg $0xA  }
0xc7: {  	_ =	task.clear_ibuf [dreg:s22], $0x6FFFF;
	_ =	strace $0x9000004C  }
0xc8: {  	s29 =	simm.s32 $0xA;
	_ =	strace $0x8000004E  }
0xc9: {  	_ =	swait.ge [sflag:s29], $0x1  }
0xca: {  	[sflag:s29] =	ssyncadd.s32 $0xFFFFFFFF  }
0xcb: {  	_ =	strace $0x9000004E  }
0xcc: {  	_ =	sfence  }
0xcd: {  	s30 =	sld [smem:$0x0];
	_ =	sdelay $0x2  }
0xce: {  	s31 =	sshll.u32 s1, $0xD;
	s1 =	sshrl.u32 s1, $0x2  }
0xcf: {  	s4 =	sand.u32 $0x4000, s31;
	s1 =	sadd.s32 s1, s30  }
0xd0: {  	s0 =	sor.u32 s4, s0;
	s1 =	sshll.u32 s1, $0x11  }
0xd1: {  	s0 =	sor.u32 s1, s0  }
0xd2: {  	s0 =	sadd.s32 $0x8F2B, s0  }
0xd3: {  	[sflag:s0] =	ssyncadd.remote.s32 $0x1  }
0xd4: {  	_ =	sfence.sel $0xFFFF  }
0xd5: {  	[dreg:$0x0] =	wrdreg $0xFFFFFFFF;
	(pc) =	sbr.abs _section_cstart, $3  }
0xd6: {  	[dreg:$0x1] =	wrdreg $0xFFFFFFFF  }
0xd7: {  	_ =	task.clear_ibuf [dreg:s22], $0x2FFFF;
	_ =	strace $0x9FFFFFFF  }
0xd8: {  	(tm) =	ssettm $0x7FFFFFFF  }
0xd9: {  	_ =	shalt  }
tec
execute0_lowered:
.L_overlay_start_1:
0x0: {  	(tag) =	ssettag $0x1  }
0x1: {  	s5 =	rddreg [dreg:$0x0]  }
0x2: {  	s1 =	srdreg.scid;
	s2 =	rddreg [dreg:$0x1]  }
0x3: {  	s0 =	stileid.u32;
	s3 =	rddreg [dreg:$0x2]  }
0x4: {  	s9 =	simm.s32 $0x1;
	s10 =	simm.s32 $0x3;
	s1 =	sshll.u32 s1, $0x6  }
0x5: {  	s13 =	simm.s32 $0x0;
	s4 =	sshll.u32 s0, $0x7;
	s6 =	sand.u32 $0x40, s1  }
0x6: {  	s12 =	simm.s32 $0x0;
	s5 =	sadd.s32 $0xC00, s5;
	s4 =	sor.u32 s4, s6  }
0x7: {  	s1 =	rddreg [dreg:$0x3];
	_ =	strace $0x8000004D;
	s8 =	ssub.s32 $0x1000, s4  }
.Ltmp0:
0x8: {  	s6 =	simm.s32 $0x1;
	s7 =	sand.u32 $0x7C0, s8;
	(pc) =	sbr.rel .LBB2_1-.Ltmp0, $4  }
0x9: {  	[sflag:s6] =	ssyncpa.u1 $0x0;
	s11 =	smov.u32 s4;
	p0 =	sne.s32 s7, $0x0  }
0xa: {  	s8 =	sshrl.u32 s8, $0xB;
	s7 =	simm.s32 $0x2;
	s9 =	simm.s32 @!p0 $0x0  }
0xb: {  	[sflag:s7] =	ssyncpa.u1 $0x0;
	p0 =	por $0x0, $0x0;
	s8 =	sadd.s32 s9, s8  }
0xc: {  	vm0 =	vmmov $0xffff;
	[sflag:s10] =	ssyncpa.u1 $0x0;
	s10 =	simm.s32 $0x0;
	s9 =	sadd.s32 $0x1, s8  }
.LBB2_4:
0xd: {  	v2 =	vnsel vm1, $0x0, v2  }
0xe: {  	vm1 =	vgt.s32 v0, $0x0;
	v2 =	vmin.u32 v2, $0xFFF  }
0xf: {  	v0 =	vnsel vm1, $0x0, v0  }
0x10: {  	v0 =	vmin.u32 v0, $0xFFF  }
0x11: {  	[tilespmem:s15], [sflag:$0x1] =	stream.indirect_vreg.gather [hbm4b:s5+s10], $0x1, v1, vm0, $0x4038;
	[tilespmem:$0x100] =	vst v63  }
0x12: {  	(ifvalue) =	ssetifvalue $0x7FFFFFFF  }
0x13: {  	[tilespmem:s16], [sflag:$0x1] =	stream.indirect_vreg.gather [hbm4b:s5+s10], $0x1, v2, vm0, $0x4038;
	[tilespmem:$0x100] =	vst v63  }
0x14: {  	s29 =	sadd.s32 $0x10, s16;
	(ifvalue) =	ssetifvalue $0x7FFFFFFF  }
0x15: {  	[tilespmem:s29], [sflag:$0x1] =	stream.indirect_vreg.gather [hbm4b:s5+s10], $0x1, v0, vm0, $0x4038;
	[tilespmem:$0x100] =	vst v63  }
0x16: {  	_ =	swait.ge [sflag:s6], $0x40  }
0x17: {  	s30 =	sshrl.u32 s13, $0x3;
	[sflag:s6] =	ssyncset.done $0x0  }
0x18: {  	s31 =	sand.u32 $0x7, s13;
	s15 =	sadd.s32 s3, s30;
	[sflag:s6] =	ssyncadd.s32 $0xFFFFFFC0  }
0x19: {  	[hbm4b:s15+s31] =	stream.linear.scatter [tilespmem:s14], [sflag:$0x3], $0x40, $0x38;
	[tilespmem:$0x100] =	vst v63  }
.LBB2_5:
0x1a: {  	s15 =	sadd.s32 $0x800, s11  }
0x1b: {  	p2 =	sgt.s32 s15, $0xFFF  }
0x1c: {  	s15 =	smov.u32 @p2 s4;
	p2 =	sne.s32 s12, s9  }
.Ltmp1:
0x1d: {  	p1 =	slt.u32 s12, $0x2;
	(pc) =	sbr.rel @!p2 .LBB2_6-.Ltmp1, $4  }
0x1e: {  	s14 =	simm.s32 @!p1 $0x3  }
0x1f: {  	s16 =	sadd.s32 $0x1, s12;
	_ =	swait.ge @!p1 [sflag:s14], $0x40  }
0x20: {  	s13 =	smov.u32 s11;
	p0 =	por !p0, !p0;
	[sflag:s14] =	ssyncset.done @!p1 $0x0  }
0x21: {  	s12 =	smov.u32 s16;
	s11 =	smov.u32 s15;
	[sflag:s14] =	ssyncadd.s32 @!p1 $0xFFFFFFC0  }
.LBB2_1:
0x22: {  	p1 =	sge.u32 s12, s8  }
0x23: {  	s14 =	sxor.u32 @!p1 $0xFFFFFFFF, s12  }
0x24: {  	s31 =	sadd.s32 $0xFFFFFFFF, s12;
	s15 =	sshrl.u32 @!p1 s11, $0x3;
	s14 =	sshll.u32 @!p1 s14, $0x6  }
0x25: {  	s16 =	sand.u32 @!p1 $0x7, s11;
	s15 =	sadd.s32 @!p1 s2, s15;
	s14 =	sand.u32 @!p1 $0x40, s14  }
0x26: {  	[tilespmem:s14], [sflag:$0x2] =	stream.linear.gather @!p1 [hbm4b:s15+s16], $0x40, $0x38;
	[tilespmem:$0x100] =	vst v63  }
0x27: {  	p1 =	sge.u32 s31, s8  }
.Ltmp2:
0x28: {  	_ = 	snop;
	(pc) =	sbr.rel @p1 .LBB2_5-.Ltmp2, $1  }
0x29: {  	_ =	sdelay $0x3  }
0x2a: {  	s14 =	simm.s32 $0x1  }
0x2b: {  	_ =	swait.ge [sflag:s7], $0x40;
	s14 =	simm.s32 @!p0 $0x0  }
0x2c: {  	[sflag:s7] =	ssyncset.done $0x0;
	s14 =	sshll.u32 s14, $0x6  }
0x2d: {  	[sflag:s7] =	ssyncadd.s32 $0xFFFFFFC0;
	(ifvalue) =	ssetifvalue $0x7FFFFFFF;
	v0 =	vld.msk [tilespmem:s14+$0x0 ss:$0x1], $0xffff;
	_ =	sdelay $0x4  }
0x2e: {  	s15 =	sadd.s32 $0x10, s14;
	vm1 =	vgt.s32 v0, $0x0  }
0x2f: {  	v2 =	vld.msk [tilespmem:s15+$0x0 ss:$0x1], $0xffff;
	v1 =	vnsel vm1, $0x0, v0  }
0x30: {  	v1 =	vmin.u32 v1, $0xFFF;
	_ =	sdelay $0x1  }
0x31: {  	s16 =	sshll.u32 s12, $0x6;
	s18 =	simm.s32 $0x20  }
0x32: {  	s16 =	sand.u32 $0x40, s16;
	s17 =	sadd.s32 $0x10, s15;
	s15 =	sor.u32 $0x80, s14  }
0x33: {  	s14 =	sor.u32 $0x80, s16;
	s16 =	sadd.s32 $0x10, s15;
	v0 =	vld.msk [tilespmem:s17+$0x0 ss:$0x1], $0xffff;
	vm1 =	vgt.s32 v2, $0x0;
	(ifvalue) =	ssetifvalue $0x7FFFFFFF  }
.LBB2_3:
0x34: {  	[tilespmem:s15], [sflag:$0x1] =	stream.indirect_vreg.gather [hbm4b:s5+s10], $0x1, v1, vm0, $0x4038;
	[tilespmem:$0x100] =	vst v63  }
0x35: {  	s18 =	sadd.s32 $0x10, s18  }
0x36: {  	v2 =	vnsel vm1, $0x0, v2;
	p1 =	slt.u32 s18, $0x30  }
.Ltmp3:
0x37: {  	s15 =	smov.u32 s16;
	v1 =	vmin.u32 v2, $0xFFF;
	(pc) =	sbr.rel @p1 .LBB2_3-.Ltmp3, $3  }
0x38: {  	_ =	sdelay $0x1  }
0x39: {  	s17 =	sadd.s32 $0x10, s17  }
0x3a: {  	vm1 =	vgt.s32 v0, $0x0;
	s16 =	sadd.s32 $0x10, s16;
	v2 =	vmov v0;
	(ifvalue) =	ssetifvalue $0x7FFFFFFF;
	v0 =	vld.msk [tilespmem:s17+$0x0 ss:$0x1], $0xffff  }
.Ltmp4:
0x3b: {  	_ = 	snop;
	(pc) =	sbr.rel .LBB2_4-.Ltmp4, $1  }
0x3c: {  	_ =	sdelay $0x3  }
.LBB2_6:
0x3d: {  	_ =	sfence.sel $0x180000  }
0x3e: {  	s2 =	simm.s32 $0x2;
	[bflag:$0x0] =	sbarrier.arrive $0xFFFF  }
0x3f: {  	s30 =	simm.s32 $0x3;
	[sflag:s2] =	ssyncpa.u1 $0x1  }
0x40: {  	s31 =	simm.s32 $0x1;
	[sflag:s30] =	ssyncpa.u1 $0x1  }
0x41: {  	[sflag:s31] =	ssyncpa.u1 $0x1  }
0x42: {  	p0 =	sne.s32 s0, $0x0;
	_ =	strace $0x9000004D  }
0x43: {  	s0 =	sadd.s32 @!p0 $0x100000, s1;
	[bflag:$0x2] =	sbarrier.arrive $0xFFFF  }
0x44: {  	[sflag:s0] =	ssyncadd.tile.s32 @!p0 $0x1;
	_ =	shalt  }
.Lfunc_end2:
_tile_overlayer_lowered:
.L_overlay_start_2:
0x45: {  	(tag) =	ssettag $0x2  }
0x46: {  	s0 =	rddreg [dreg:$0x0];
	s2 =	stileid.u32  }
0x47: {  	s1 =	rddreg [dreg:$0x1];
	p0 =	sne.s32 s2, $0x0  }
0x48: {  	s3 =	rddreg [dreg:$0x2];
	[bflag:$0x3] =	sbarrier.arrive $0xFFFF;
	s2 =	simm.s32 @!p0 $0x1C01  }
0x49: {  	[timem:s3], [sflag:s2] =	dma.local @!p0 [hbm:s0], s1  }
0x4a: {  	s0 =	simm.s32 @!p0 $0x1  }
0x4b: {  	_ =	swait.ge @!p0 [sflag:s0], s1  }
0x4c: {  	s1 =	ssub.s32 @!p0 $0x0, s1;
	[sflag:s0] =	ssyncset.done @!p0 $0x0  }
0x4d: {  	[sflag:s0] =	ssyncadd.s32 @!p0 s1  }
0x4e: {  	[bflag:$0x3] =	sbarrier.arrive $0xFFFF  }
0x4f: {  	_ =	shalt  }

// kernel: gather_offload_async_start
scs
__scs_entry_jumppad:
0x0: {  	(pc) =	sbr.rel $0x88, $3  }
0x1: {  	(tag) =	ssettag $0x0;
	lr =	simm.s32 $0x1  }
0x2: {  	[smem:$0x3F91] =	sst lr;
	_ =	strace $0xD0000000  }
0x3: {  	_ = 	snop  }
0x4: {  	_ = 	snop  }
0x5: {  	_ = 	snop  }
0x6: {  	_ = 	snop  }
0x7: {  	_ = 	snop  }
__scs_overlays_trampoline_lowered:
0x8: {  	[smem:$0x3FA0] =	sst s0  }
0x9: {  	[smem:$0x3FA1] =	sst s1  }
0xa: {  	[smem:$0x3FA2] =	sst s2  }
0xb: {  	[smem:$0x3FA3] =	sst s3  }
0xc: {  	[smem:$0x3FA4] =	sst s4  }
0xd: {  	[smem:$0x3FA5] =	sst s5  }
0xe: {  	[smem:$0x3FA6] =	sst s6  }
0xf: {  	[smem:$0x3FA7] =	sst s7  }
0x10: {  	[smem:$0x3FA8] =	sst s8  }
0x11: {  	[smem:$0x3FA9] =	sst s9;
	s0 =	simm.s32 @!p0 $0x0  }
0x12: {  	s1 =	sld [smem:$0x3F8F];
	s0 =	simm.s32 @p0 $0x1  }
0x13: {  	[smem:$0x3FAA] =	sst s0;
	s0 =	simm.s32 @!p1 $0x0  }
0x14: {  	s2 =	sld [smem:$0x3F8E];
	s0 =	simm.s32 @p1 $0x1  }
0x15: {  	[smem:$0x3FAB] =	sst s0;
	s0 =	simm.s32 @!p2 $0x0  }
0x16: {  	s3 =	sld [smem:$0x3FDB];
	s0 =	simm.s32 @p2 $0x1  }
0x17: {  	s4 =	simm.s32 $0x1BF5;
	[smem:$0x3FAD] =	sst s0  }
0x18: {  	s0 =	sld [smem:$0x3F90];
	_ =	swait.ge [sflag:s4], $0x0  }
0x19: {  	s7 =	sld [smem:$0x3F91]  }
0x1a: {  	s8 =	sadd.s32 $0xFFFFE003, lr  }
0x1b: {  	s9 =	sadd.s32 $0xFFFFFEF7, lr;
	s5 =	simm.s32 $0xFFFFFFFF;
	p2 =	slt.u32 s8, $0xFFFFF086  }
0x1c: {  	p1 =	slt.u32 s9, $0xF7A;
	s5 =	simm.s32 @!p2 $0x0  }
0x1d: {  	s5 =	simm.s32 @p1 $0x1;
	p0 =	seq.s32 s7, s2  }
0x1e: {  	s7 =	smul.u32 @!p0 $0xF7A, s2;
	p2 =	seq.s32 @!p0 s5, $0x0  }
0x1f: {  	s9 =	smul.u32 $0xF7A, s1;
	s8 =	simm.s32 @!p0 $0x1BF5;
	p2 =	por !p2, p0  }
0x20: {  	[sflag:s8] =	ssyncset.s32 @!p0 $0xFFFFF086;
	s6 =	sadd.s32 @!p0 s3, s7;
	s7 =	simm.s32 @!p0 $0x108  }
0x21: {  	s3 =	sadd.s32 s3, s9;
	s6 =	sadd.s32 @!p0 $0x88, s6;
	s7 =	simm.s32 @p2 $0x1082  }
0x22: {  	[simem:s7], [sflag:s8] =	dma.local @!p0 [hbm:s6], $0xF7A  }
0x23: {  	s9 =	sor.u32 $0xD0000000, s2;
	s6 =	simm.s32 $0x108;
	_ =	swait.ge @!p0 [sflag:s8], $0x0  }
0x24: {  	s3 =	sadd.s32 $0x88, s3;
	s6 =	simm.s32 @!p1 $0x1082;
	[sflag:s4] =	ssyncset.s32 $0xFFFFF086  }
0x25: {  	[simem:s6], [sflag:s4] =	dma.local [hbm:s3], $0xF7A  }
0x26: {  	[smem:$0x3F91] =	sst s1;
	(tag) =	ssettag s2;
	_ =	strace s9  }
0x27: {  	s1 =	sld [smem:$0x3FA1]  }
0x28: {  	s2 =	sld [smem:$0x3FA2]  }
0x29: {  	s4 =	sld [smem:$0x3FA4]  }
0x2a: {  	p0 =	seq.s32 s5, $0x0;
	s5 =	sld [smem:$0x3FA5]  }
0x2b: {  	s6 =	sld [smem:$0x3FA6]  }
0x2c: {  	s7 =	sld [smem:$0x3FA7]  }
0x2d: {  	s3 =	simm.s32 $0x108;
	s8 =	sld [smem:$0x3FA8]  }
0x2e: {  	s3 =	simm.s32 @!p0 $0x1082;
	s9 =	sld [smem:$0x3FA9]  }
0x2f: {  	lr =	sadd.s32 s0, s3;
	s0 =	sld [smem:$0x3FA0]  }
0x30: {  	s3 =	sld [smem:$0x3FA3]  }
0x31: {  	[smem:$0x3FAC] =	sst s10  }
0x32: {  	s10 =	sld [smem:$0x3FAA];
	_ =	sdelay $0x3  }
0x33: {  	p0 =	seq.s32 s10, $0x1;
	s10 =	sld [smem:$0x3FAC];
	_ =	sdelay $0x3  }
0x34: {  	[smem:$0x3FAC] =	sst s10  }
0x35: {  	s10 =	sld [smem:$0x3FAB];
	_ =	sdelay $0x3  }
0x36: {  	p1 =	seq.s32 s10, $0x1;
	s10 =	sld [smem:$0x3FAC];
	_ =	sdelay $0x3  }
0x37: {  	[smem:$0x3FAC] =	sst s10  }
0x38: {  	s10 =	sld [smem:$0x3FAD]  }
0x39: {  	_ = 	snop;
	(pc) =	sbr.ind lr, $3  }
0x3a: {  	_ = 	snop  }
0x3b: {  	_ = 	snop  }
0x3c: {  	p2 =	seq.s32 s10, $0x1;
	s10 =	sld [smem:$0x3FAC]  }
0x3d: {  	_ =	shalt  }
0x3e: {  	_ =	shalt  }
0x3f: {  	_ =	shalt  }
0x40: {  	_ =	shalt  }
0x41: {  	_ =	shalt  }
0x42: {  	_ =	shalt  }
0x43: {  	_ =	shalt  }
0x44: {  	_ =	shalt  }
0x45: {  	_ =	shalt  }
0x46: {  	_ =	shalt  }
0x47: {  	_ =	shalt  }
0x48: {  	_ =	shalt  }
0x49: {  	_ =	shalt  }
0x4a: {  	_ =	shalt  }
0x4b: {  	_ =	shalt  }
0x4c: {  	_ =	shalt  }
0x4d: {  	_ =	shalt  }
0x4e: {  	_ =	shalt  }
0x4f: {  	_ =	shalt  }
0x50: {  	_ =	shalt  }
0x51: {  	_ =	shalt  }
0x52: {  	_ =	shalt  }
0x53: {  	_ =	shalt  }
0x54: {  	_ =	shalt  }
0x55: {  	_ =	shalt  }
0x56: {  	_ =	shalt  }
0x57: {  	_ =	shalt  }
0x58: {  	_ =	shalt  }
0x59: {  	_ =	shalt  }
0x5a: {  	_ =	shalt  }
0x5b: {  	_ =	shalt  }
0x5c: {  	_ =	shalt  }
0x5d: {  	_ =	shalt  }
0x5e: {  	_ =	shalt  }
0x5f: {  	_ =	shalt  }
0x60: {  	_ =	shalt  }
0x61: {  	_ =	shalt  }
0x62: {  	_ =	shalt  }
0x63: {  	_ =	shalt  }
0x64: {  	_ =	shalt  }
0x65: {  	_ =	shalt  }
0x66: {  	_ =	shalt  }
0x67: {  	_ =	shalt  }
0x68: {  	_ =	shalt  }
0x69: {  	_ =	shalt  }
0x6a: {  	_ =	shalt  }
0x6b: {  	_ =	shalt  }
0x6c: {  	_ =	shalt  }
0x6d: {  	_ =	shalt  }
0x6e: {  	_ =	shalt  }
0x6f: {  	_ =	shalt  }
0x70: {  	_ =	shalt  }
0x71: {  	_ =	shalt  }
0x72: {  	_ =	shalt  }
0x73: {  	_ =	shalt  }
0x74: {  	_ =	shalt  }
0x75: {  	_ =	shalt  }
0x76: {  	_ =	shalt  }
0x77: {  	_ =	shalt  }
0x78: {  	_ =	shalt  }
0x79: {  	_ =	shalt  }
0x7a: {  	_ =	shalt  }
0x7b: {  	_ =	shalt  }
0x7c: {  	_ =	shalt  }
0x7d: {  	_ =	shalt  }
0x7e: {  	_ =	shalt  }
0x7f: {  	_ =	shalt  }
0x80: {  	_ =	shalt  }
0x81: {  	_ =	shalt  }
0x82: {  	_ =	shalt  }
0x83: {  	_ =	shalt  }
0x84: {  	_ =	shalt  }
0x85: {  	_ =	shalt  }
0x86: {  	_ =	shalt  }
0x87: {  	_ =	shalt  }
.Lfunc_end0:
.L_simem_size_0:
called_computation_lowered:
.L_overlay_start_0:
0x88: {  	s2 =	sld [smem:$0x3FD9]  }
0x89: {  	s3 =	sld [smem:$0x3FFE];
	_ =	sdelay $0x1  }
0x8a: {  	s1 =	srdreg.scid  }
0x8b: {  	s0 =	sand.u32 $0x1, s1  }
0x8c: {  	s14 =	sshll.u32 s0, $0xA;
	s2 =	sadd.s32 s3, s2  }
0x8d: {  	s2 =	sadd.s32 s2, s14  }
0x8e: {  	[smem:$0x3FB8] =	sst s2  }
0x8f: {  	_ = 	snop  }
0x90: {  	s2 =	sld [smem:$0x3FD0];
	_ =	sdelay $0x2  }
0x91: {  	s15 =	simm.s32 $0xB;
	s4 =	simm.s32 $0x10  }
0x92: {  	[smem:s4], [sflag:s15] =	dma.local [hbm:s2], $0x1  }
0x93: {  	_ =	swait.eq [sflag:s15], $0x1  }
0x94: {  	[sflag:s15] =	ssyncset.done $0x0  }
0x95: {  	s16 =	sld [smem:$0x10];
	[sflag:s15] =	ssyncadd.s32 $0xFFFFFFFF  }
0x96: {  	s17 =	sld [smem:$0x11];
	(tm) =	ssettm $0x1  }
0x97: {  	s18 =	sld [smem:$0x3FFB];
	_ =	sdelay $0x3  }
0x98: {  	_ =	strace s18  }
0x99: {  	s4 =	sld [smem:$0x3FFC];
	_ =	sdelay $0x3  }
0x9a: {  	_ =	strace s4  }
0x9b: {  	s4 =	sld [smem:$0x3FFD];
	_ =	sdelay $0x3  }
0x9c: {  	_ =	strace s4  }
0x9d: {  	_ =	strace $0x8FFFFFFF  }
0x9e: {  	s19 =	sld [smem:$0x3FDB];
	_ =	sdelay $0x1  }
0x9f: {  	s5 =	simm.s32 $_scs_section_size  }
0xa0: {  	s6 =	simm.s32 $_size__tile_overlayer_lowered;
	s7 =	simm.s32 $_tile_overlayer_lowered  }
0xa1: {  	s22 =	simm.s32 $0x1BFF;
	s21 =	sshll.u32 s7, $0x1;
	s4 =	sadd.s32 s5, s19  }
0xa2: {  	s8 =	simm.s32 $0x0;
	s20 =	sshll.u32 s6, $0x1;
	s6 =	sadd.s32 s21, s4  }
0xa3: {  	[timem:s8], [sflag:s22] =	dma.local [hbm:s6], s20  }
0xa4: {  	_ =	swait.ge [sflag:s22], s20  }
0xa5: {  	s5 =	ssub.s32 $0x0, s20;
	[sflag:s22] =	ssyncset.done $0x0  }
0xa6: {  	[sflag:s22] =	ssyncadd.s32 s5;
	_ =	sdelay $0x1  }
0xa7: {  	s23 =	simm.s32 $0x1B8B  }
0xa8: {  	_ =	swait.ge [sflag:s23], $0x1  }
0xa9: {  	[sflag:s23] =	ssyncset.done $0x0  }
0xaa: {  	s25 =	simm.s32 $0x1B8E;
	s24 =	sld [smem:$0x3FFE];
	[sflag:s23] =	ssyncadd.s32 $0xFFFFFFFF  }
0xab: {  	s26 =	simm.s32 $execute0_lowered;
	[smem:$0x3FD2] =	sst s25  }
0xac: {  	s6 =	sshll.u32 s26, $0x1;
	_ =	strace $0x80000046;
	[dreg:$0x1] =	wrdreg $0xFFFFFFFF  }
0xad: {  	s28 =	simm.s32 $_size_execute0_lowered;
	s4 =	sadd.s32 s4, s6;
	[dreg:$0x0] =	wrdreg $0x0  }
0xae: {  	s6 =	sshll.u32 s28, $0x1;
	[dreg:$0x2] =	wrdreg s4  }
0xaf: {  	[dreg:$0x3] =	wrdreg s6  }
0xb0: {  	[dreg:$0x4] =	wrdreg $0xC0  }
0xb1: {  	_ =	task [dreg:s8], $0x5FFFF  }
0xb2: {  	[dreg:$0x1] =	wrdreg $0xFFFFFFFF  }
0xb3: {  	[dreg:$0x0] =	wrdreg $0x60  }
0xb4: {  	[dreg:$0x2] =	wrdreg s17  }
0xb5: {  	[dreg:$0x3] =	wrdreg s16  }
0xb6: {  	[dreg:$0x4] =	wrdreg s24  }
0xb7: {  	[dreg:$0x5] =	wrdreg $0x9  }
0xb8: {  	_ =	task.clear_ibuf [dreg:s8], $0x6FFFF;
	_ =	strace $0x90000046  }
0xb9: {  	s29 =	simm.s32 $0x9;
	_ =	strace $0x80000048  }
0xba: {  	_ =	swait.ge [sflag:s29], $0x1  }
0xbb: {  	[sflag:s29] =	ssyncadd.s32 $0xFFFFFFFF  }
0xbc: {  	_ =	strace $0x90000048  }
0xbd: {  	_ =	sfence  }
0xbe: {  	s30 =	sld [smem:$0x0];
	_ =	sdelay $0x2  }
0xbf: {  	s31 =	sshll.u32 s1, $0xD;
	s1 =	sshrl.u32 s1, $0x2  }
0xc0: {  	s3 =	sand.u32 $0x4000, s31;
	s1 =	sadd.s32 s1, s30  }
0xc1: {  	s0 =	sor.u32 s3, s0;
	s1 =	sshll.u32 s1, $0x11  }
0xc2: {  	s0 =	sor.u32 s1, s0  }
0xc3: {  	s0 =	sadd.s32 $0x8F2B, s0  }
0xc4: {  	[sflag:s0] =	ssyncadd.remote.s32 $0x1  }
0xc5: {  	_ =	sfence.sel $0xFFFF  }
0xc6: {  	[dreg:$0x0] =	wrdreg $0xFFFFFFFF;
	(pc) =	sbr.abs _section_cstart, $3  }
0xc7: {  	[dreg:$0x1] =	wrdreg $0xFFFFFFFF  }
0xc8: {  	_ =	task.clear_ibuf [dreg:s8], $0x2FFFF;
	_ =	strace $0x9FFFFFFF  }
0xc9: {  	(tm) =	ssettm $0x7FFFFFFF  }
tec
execute0_lowered:
.L_overlay_start_1:
0x0: {  	(tag) =	ssettag $0x1  }
0x1: {  	s2 =	rddreg [dreg:$0x0]  }
0x2: {  	s1 =	srdreg.scid;
	s3 =	rddreg [dreg:$0x1]  }
0x3: {  	s0 =	stileid.u32;
	s5 =	rddreg [dreg:$0x2]  }
0x4: {  	s9 =	simm.s32 $0x1;
	s10 =	simm.s32 $0x3;
	s1 =	sshll.u32 s1, $0x6  }
0x5: {  	s13 =	simm.s32 $0x0;
	s4 =	sshll.u32 s0, $0x7;
	s6 =	sand.u32 $0x40, s1  }
0x6: {  	s12 =	simm.s32 $0x0;
	s5 =	sadd.s32 $0x646200, s5;
	s4 =	sor.u32 s4, s6  }
0x7: {  	s1 =	rddreg [dreg:$0x3];
	_ =	strace $0x80000047;
	s8 =	ssub.s32 $0x1000, s4  }
.Ltmp0:
0x8: {  	s6 =	simm.s32 $0x1;
	s7 =	sand.u32 $0x7C0, s8;
	(pc) =	sbr.rel .LBB2_1-.Ltmp0, $4  }
0x9: {  	[sflag:s6] =	ssyncpa.u1 $0x0;
	s11 =	smov.u32 s4;
	p0 =	sne.s32 s7, $0x0  }
0xa: {  	s8 =	sshrl.u32 s8, $0xB;
	s7 =	simm.s32 $0x2;
	s9 =	simm.s32 @!p0 $0x0  }
0xb: {  	[sflag:s7] =	ssyncpa.u1 $0x0;
	p0 =	por $0x0, $0x0;
	s8 =	sadd.s32 s9, s8  }
0xc: {  	vm0 =	vmmov $0xffff;
	[sflag:s10] =	ssyncpa.u1 $0x0;
	s10 =	simm.s32 $0x0;
	s9 =	sadd.s32 $0x1, s8  }
.LBB2_4:
0xd: {  	v2 =	vnsel vm1, $0x0, v2  }
0xe: {  	vm1 =	vgt.s32 v0, $0x0;
	v2 =	vmin.u32 v2, $0xFFF  }
0xf: {  	v0 =	vnsel vm1, $0x0, v0  }
0x10: {  	v0 =	vmin.u32 v0, $0xFFF  }
0x11: {  	[tilespmem:s15], [sflag:$0x1] =	stream.indirect_vreg.gather [hbm4b:s2+s10], $0x1, v1, vm0, $0x4038;
	[tilespmem:$0x100] =	vst v63  }
0x12: {  	(ifvalue) =	ssetifvalue $0x7FFFFFFF  }
0x13: {  	[tilespmem:s16], [sflag:$0x1] =	stream.indirect_vreg.gather [hbm4b:s2+s10], $0x1, v2, vm0, $0x4038;
	[tilespmem:$0x100] =	vst v63  }
0x14: {  	s29 =	sadd.s32 $0x10, s16;
	(ifvalue) =	ssetifvalue $0x7FFFFFFF  }
0x15: {  	[tilespmem:s29], [sflag:$0x1] =	stream.indirect_vreg.gather [hbm4b:s2+s10], $0x1, v0, vm0, $0x4038;
	[tilespmem:$0x100] =	vst v63  }
0x16: {  	_ =	swait.ge [sflag:s6], $0x40  }
0x17: {  	s30 =	sshrl.u32 s13, $0x3;
	[sflag:s6] =	ssyncset.done $0x0  }
0x18: {  	s31 =	sand.u32 $0x7, s13;
	s15 =	sadd.s32 s5, s30;
	[sflag:s6] =	ssyncadd.s32 $0xFFFFFFC0  }
0x19: {  	[hbm4b:s15+s31] =	stream.linear.scatter [tilespmem:s14], [sflag:$0x3], $0x40, $0x38;
	[tilespmem:$0x100] =	vst v63  }
.LBB2_5:
0x1a: {  	s15 =	sadd.s32 $0x800, s11  }
0x1b: {  	p2 =	sgt.s32 s15, $0xFFF  }
0x1c: {  	s15 =	smov.u32 @p2 s4;
	p2 =	sne.s32 s12, s9  }
.Ltmp1:
0x1d: {  	p1 =	slt.u32 s12, $0x2;
	(pc) =	sbr.rel @!p2 .LBB2_6-.Ltmp1, $4  }
0x1e: {  	s14 =	simm.s32 @!p1 $0x3  }
0x1f: {  	s16 =	sadd.s32 $0x1, s12;
	_ =	swait.ge @!p1 [sflag:s14], $0x40  }
0x20: {  	s13 =	smov.u32 s11;
	p0 =	por !p0, !p0;
	[sflag:s14] =	ssyncset.done @!p1 $0x0  }
0x21: {  	s12 =	smov.u32 s16;
	s11 =	smov.u32 s15;
	[sflag:s14] =	ssyncadd.s32 @!p1 $0xFFFFFFC0  }
.LBB2_1:
0x22: {  	p1 =	sge.u32 s12, s8  }
0x23: {  	s14 =	sxor.u32 @!p1 $0xFFFFFFFF, s12  }
0x24: {  	s31 =	sadd.s32 $0xFFFFFFFF, s12;
	s15 =	sshrl.u32 @!p1 s11, $0x3;
	s14 =	sshll.u32 @!p1 s14, $0x6  }
0x25: {  	s16 =	sand.u32 @!p1 $0x7, s11;
	s15 =	sadd.s32 @!p1 s3, s15;
	s14 =	sand.u32 @!p1 $0x40, s14  }
0x26: {  	[tilespmem:s14], [sflag:$0x2] =	stream.linear.gather @!p1 [hbm4b:s15+s16], $0x40, $0x38;
	[tilespmem:$0x100] =	vst v63  }
0x27: {  	p1 =	sge.u32 s31, s8  }
.Ltmp2:
0x28: {  	_ = 	snop;
	(pc) =	sbr.rel @p1 .LBB2_5-.Ltmp2, $1  }
0x29: {  	_ =	sdelay $0x3  }
0x2a: {  	s14 =	simm.s32 $0x1  }
0x2b: {  	_ =	swait.ge [sflag:s7], $0x40;
	s14 =	simm.s32 @!p0 $0x0  }
0x2c: {  	[sflag:s7] =	ssyncset.done $0x0;
	s14 =	sshll.u32 s14, $0x6  }
0x2d: {  	[sflag:s7] =	ssyncadd.s32 $0xFFFFFFC0;
	(ifvalue) =	ssetifvalue $0x7FFFFFFF;
	v0 =	vld.msk [tilespmem:s14+$0x0 ss:$0x1], $0xffff;
	_ =	sdelay $0x4  }
0x2e: {  	s15 =	sadd.s32 $0x10, s14;
	vm1 =	vgt.s32 v0, $0x0  }
0x2f: {  	v2 =	vld.msk [tilespmem:s15+$0x0 ss:$0x1], $0xffff;
	v1 =	vnsel vm1, $0x0, v0  }
0x30: {  	v1 =	vmin.u32 v1, $0xFFF;
	_ =	sdelay $0x1  }
0x31: {  	s16 =	sshll.u32 s12, $0x6;
	s18 =	simm.s32 $0x20  }
0x32: {  	s16 =	sand.u32 $0x40, s16;
	s17 =	sadd.s32 $0x10, s15;
	s15 =	sor.u32 $0x80, s14  }
0x33: {  	s14 =	sor.u32 $0x80, s16;
	s16 =	sadd.s32 $0x10, s15;
	v0 =	vld.msk [tilespmem:s17+$0x0 ss:$0x1], $0xffff;
	vm1 =	vgt.s32 v2, $0x0;
	(ifvalue) =	ssetifvalue $0x7FFFFFFF  }
.LBB2_3:
0x34: {  	[tilespmem:s15], [sflag:$0x1] =	stream.indirect_vreg.gather [hbm4b:s2+s10], $0x1, v1, vm0, $0x4038;
	[tilespmem:$0x100] =	vst v63  }
0x35: {  	s18 =	sadd.s32 $0x10, s18  }
0x36: {  	v2 =	vnsel vm1, $0x0, v2;
	p1 =	slt.u32 s18, $0x30  }
.Ltmp3:
0x37: {  	s15 =	smov.u32 s16;
	v1 =	vmin.u32 v2, $0xFFF;
	(pc) =	sbr.rel @p1 .LBB2_3-.Ltmp3, $3  }
0x38: {  	_ =	sdelay $0x1  }
0x39: {  	s17 =	sadd.s32 $0x10, s17  }
0x3a: {  	vm1 =	vgt.s32 v0, $0x0;
	s16 =	sadd.s32 $0x10, s16;
	v2 =	vmov v0;
	(ifvalue) =	ssetifvalue $0x7FFFFFFF;
	v0 =	vld.msk [tilespmem:s17+$0x0 ss:$0x1], $0xffff  }
.Ltmp4:
0x3b: {  	_ = 	snop;
	(pc) =	sbr.rel .LBB2_4-.Ltmp4, $1  }
0x3c: {  	_ =	sdelay $0x3  }
.LBB2_6:
0x3d: {  	_ =	sfence.sel $0x180000  }
0x3e: {  	s2 =	simm.s32 $0x2;
	[bflag:$0x0] =	sbarrier.arrive $0xFFFF  }
0x3f: {  	s30 =	simm.s32 $0x3;
	[sflag:s2] =	ssyncpa.u1 $0x1  }
0x40: {  	s31 =	simm.s32 $0x1;
	[sflag:s30] =	ssyncpa.u1 $0x1  }
0x41: {  	[sflag:s31] =	ssyncpa.u1 $0x1  }
0x42: {  	p0 =	sne.s32 s0, $0x0;
	_ =	strace $0x90000047  }
0x43: {  	s0 =	sadd.s32 @!p0 $0x100000, s1;
	[bflag:$0x2] =	sbarrier.arrive $0xFFFF  }
0x44: {  	[sflag:s0] =	ssyncadd.tile.s32 @!p0 $0x1;
	_ =	shalt  }
.Lfunc_end2:
_tile_overlayer_lowered:
.L_overlay_start_2:
0x45: {  	(tag) =	ssettag $0x2  }
0x46: {  	s0 =	rddreg [dreg:$0x0];
	s2 =	stileid.u32  }
0x47: {  	s1 =	rddreg [dreg:$0x1];
	p0 =	sne.s32 s2, $0x0  }
0x48: {  	s3 =	rddreg [dreg:$0x2];
	[bflag:$0x3] =	sbarrier.arrive $0xFFFF;
	s2 =	simm.s32 @!p0 $0x1C01  }
0x49: {  	[timem:s3], [sflag:s2] =	dma.local @!p0 [hbm:s0], s1  }
0x4a: {  	s0 =	simm.s32 @!p0 $0x1  }
0x4b: {  	_ =	swait.ge @!p0 [sflag:s0], s1  }
0x4c: {  	s1 =	ssub.s32 @!p0 $0x0, s1;
	[sflag:s0] =	ssyncset.done @!p0 $0x0  }
0x4d: {  	[sflag:s0] =	ssyncadd.s32 @!p0 s1  }
0x4e: {  	[bflag:$0x3] =	sbarrier.arrive $0xFFFF  }
0x4f: {  	_ =	shalt  }

</sc_bundles>
